<compile_context>
chip_gen: v7x
topology: tpu7x:2x2x1
jax: 0.10.2.dev20260603
libtpu: 0.0.44.dev20260713+nightly
codegen_flags: <defaults>
</compile_context>

<pallas_src>
import functools

import jax
import jax.numpy as jnp
from jax import lax
from jax.experimental import pallas as pl
from jax.experimental.pallas import tpu as pltpu
from jax.experimental.pallas import tpu_sc as plsc

_NUM_CLASSES = 1000000
_HIDDEN = 64
_BATCH = 16384
_DROP = 0.1

_NC = 2
_NS = 16
_NW = _NC * _NS
_BPW = _BATCH // _NW
_LANES = 16
_UNROLL = 16

_mesh = plsc.VectorSubcoreMesh(core_axis_name="c", subcore_axis_name="s")


@functools.partial(
    pl.kernel,
    mesh=_mesh,
    compiler_params=pltpu.CompilerParams(use_tc_tiling_on_sc=True),
    out_type=jax.ShapeDtypeStruct((_BATCH, _HIDDEN), jnp.float32),
    scratch_types=[
        pltpu.VMEM((_BPW,), jnp.int32),
        pltpu.VMEM((_BPW,), jnp.int32),
    ] + [pltpu.SemaphoreType.DMA] * 8,
)
def _embed_gather(table_hbm, labels_hbm, cond_hbm, out_hbm,
                  lab_v, cond_v, *sems):
    wid = lax.axis_index("s") * _NC + lax.axis_index("c")
    base = wid * _BPW
    pltpu.sync_copy(labels_hbm.at[pl.ds(base, _BPW)], lab_v)
    pltpu.sync_copy(cond_hbm.at[pl.ds(base, _BPW)], cond_v)
    for k in range(_BPW // _LANES):
        sl = pl.ds(k * _LANES, _LANES)
        lab_v[sl] = jnp.where(cond_v[sl] != 0, _NUM_CLASSES, lab_v[sl])

    def issue(g, carry):
        vec = lab_v[pl.ds(g * _UNROLL, _UNROLL)]
        for k in range(_UNROLL):
            idx = vec[k]
            pltpu.async_copy(table_hbm.at[idx],
                             out_hbm.at[base + g * _UNROLL + k],
                             sems[k % 8])
        return carry

    lax.fori_loop(0, _BPW // _UNROLL, issue, 0)
    for q in range(8):
        pltpu.make_async_copy(table_hbm.at[pl.ds(0, _BPW // 8)],
                              out_hbm.at[pl.ds(base + q * (_BPW // 8),
                                               _BPW // 8)],
                              sems[q]).wait()


def kernel(labels, embedding_table, train=False, force_drop_ids=None):
    if force_drop_ids is not None:
        cond = force_drop_ids == 1
    else:
        drop = jax.random.bernoulli(jax.random.key(33), _DROP,
                                    (labels.shape[0],))
        cond = jnp.logical_and(jnp.asarray(train, dtype=bool), drop)
    lab = labels.astype(jnp.int32)
    cond32 = cond.astype(jnp.int32)
    return _embed_gather(embedding_table, lab, cond32)

# --- scband reference (transcript-rebuilt; emitter-appended) ---
"""Pipeline reference for scband-label-embedder-16767552323932 (READ-ONLY COPY).

The authoritative reference and input builder live on the scoring server;
editing this copy changes nothing except your own understanding.
"""

import jax, jax.numpy as jnp
import numpy as np

NUM_CLASSES = 1000000
HIDDEN_SIZE = 64
DROP = 0.1
BATCH = 16384

def setup_inputs(seed: int = 0) -> dict:
    key = jax.random.key(seed)
    k1, k2 = jax.random.split(key)
    labels = jax.random.randint(k1, (BATCH,), 0, NUM_CLASSES, dtype=jnp.int64 if jax.config.jax_enable_x64 else jnp.int32)
    # use_cfg_embeddings = drop > 0 -> table has num_classes + 1 rows
    embedding_table = jax.random.normal(k2, (NUM_CLASSES + 1, HIDDEN_SIZE), dtype=jnp.float32) * 0.02
    return {"labels": labels, "embedding_table": embedding_table, "train": False, "force_drop_ids": None}

def reference(labels, embedding_table, train=False, force_drop_ids=None):
    # Faithful translation of LabelEmbedder.__call__
    use_drop = DROP > 0
    if force_drop_ids is None:
        # original draws random drop ids; eval path (train=False) is used here
        drop_key = jax.random.key(33)
        drop_ids = jax.random.bernoulli(drop_key, DROP, (labels.shape[0],))
    else:
        drop_ids = force_drop_ids == 1
    train_flag = jnp.asarray(train, dtype=bool)
    apply_drop = jnp.logical_or(
        jnp.logical_and(train_flag, use_drop),
        force_drop_ids is not None,
    )
    labels = jnp.where(jnp.logical_and(apply_drop, drop_ids), NUM_CLASSES, labels)
    # embedding lookup (nnx.Embed.__call__) -> gather rows
    label_embeds = jnp.take(embedding_table, labels, axis=0)
    return label_embeds

if __name__ == "__main__":
    import jax
    _d = setup_inputs()
    print(jax.jit(kernel)(*tuple(_d.values())))

</pallas_src>

<mosaic_0001>
#map = affine_map<(d0, d1) -> (0, 0)>
#map1 = affine_map<(d0, d1) -> (0)>
module attributes {stable_mosaic.version = 14 : i64} {
  func.func @_embed_gather(%arg0: i32, %arg1: i32, %arg2: memref<1000001x64xf32, #tpu.memory_space<hbm>>, %arg3: memref<16384xi32, #tpu.memory_space<hbm>>, %arg4: memref<16384xi32, #tpu.memory_space<hbm>>, %arg5: memref<16384x64xf32, #tpu.memory_space<hbm>>, %arg6: memref<512xi32, #tpu.memory_space<vmem>>, %arg7: memref<512xi32, #tpu.memory_space<vmem>>, %arg8: memref<!tpu.dma_semaphore, #tpu.memory_space<semaphore_mem>>, %arg9: memref<!tpu.dma_semaphore, #tpu.memory_space<semaphore_mem>>, %arg10: memref<!tpu.dma_semaphore, #tpu.memory_space<semaphore_mem>>, %arg11: memref<!tpu.dma_semaphore, #tpu.memory_space<semaphore_mem>>, %arg12: memref<!tpu.dma_semaphore, #tpu.memory_space<semaphore_mem>>, %arg13: memref<!tpu.dma_semaphore, #tpu.memory_space<semaphore_mem>>, %arg14: memref<!tpu.dma_semaphore, #tpu.memory_space<semaphore_mem>>, %arg15: memref<!tpu.dma_semaphore, #tpu.memory_space<semaphore_mem>>) attributes {dimension_semantics = [#tpu.dimension_semantics<core_parallel>, #tpu.dimension_semantics<subcore_parallel>], iteration_bounds = array<i64: 2, 16>, scalar_prefetch = 0 : i64, scratch_operands = 10 : i64, tpu.core_type = #tpu.core_type<sc_vector_subcore>, window_params = [{transform_indices = #map}, {transform_indices = #map1}, {transform_indices = #map1}, {transform_indices = #map}]} {
    %mul3A = arith.constant 2 : i32
    %mul3A_0 = arith.muli %arg1, %mul3A : i32
    %add3A = arith.addi %mul3A_0, %arg0 : i32
    %mul3A_1 = arith.constant 512 : i32
    %mul3A_2 = arith.muli %add3A, %mul3A_1 : i32
    "tpu.region"() ({
      %run_scoped3A = tpu.sem_alloc : memref<!tpu.dma_semaphore, #tpu.memory_space<semaphore_mem>>
      %dma_start3A = tpu.memref_slice %arg3[%mul3A_2] : memref<16384xi32, #tpu.memory_space<hbm>> -> memref<512xi32, #tpu.memory_space<hbm>>
      %dma_start3A_569 = tpu.memref_slice %arg3[%mul3A_2] : memref<16384xi32, #tpu.memory_space<hbm>> -> memref<512xi32, #tpu.memory_space<hbm>>
      tpu.enqueue_dma source(%dma_start3A_569 : memref<512xi32, #tpu.memory_space<hbm>>) target(%arg6 : memref<512xi32, #tpu.memory_space<vmem>>) target_semaphore(%run_scoped3A : memref<!tpu.dma_semaphore, #tpu.memory_space<semaphore_mem>>)
      %dma_wait3A_570 = tpu.memref_slice %arg3[%mul3A_2] : memref<16384xi32, #tpu.memory_space<hbm>> -> memref<512xi32, #tpu.memory_space<hbm>>
      %dma_wait3A_571 = tpu.memref_slice %arg3[%mul3A_2] : memref<16384xi32, #tpu.memory_space<hbm>> -> memref<512xi32, #tpu.memory_space<hbm>>
      tpu.wait_dma2 semaphore(%run_scoped3A : memref<!tpu.dma_semaphore, #tpu.memory_space<semaphore_mem>>) src(%dma_wait3A_571 : memref<512xi32, #tpu.memory_space<hbm>>) dst(%arg6 : memref<512xi32, #tpu.memory_space<vmem>>)
      tpu.yield
    }) : () -> ()
    "tpu.region"() ({
      %run_scoped3A = tpu.sem_alloc : memref<!tpu.dma_semaphore, #tpu.memory_space<semaphore_mem>>
      %dma_start3A = tpu.memref_slice %arg4[%mul3A_2] : memref<16384xi32, #tpu.memory_space<hbm>> -> memref<512xi32, #tpu.memory_space<hbm>>
      %dma_start3A_569 = tpu.memref_slice %arg4[%mul3A_2] : memref<16384xi32, #tpu.memory_space<hbm>> -> memref<512xi32, #tpu.memory_space<hbm>>
      tpu.enqueue_dma source(%dma_start3A_569 : memref<512xi32, #tpu.memory_space<hbm>>) target(%arg7 : memref<512xi32, #tpu.memory_space<vmem>>) target_semaphore(%run_scoped3A : memref<!tpu.dma_semaphore, #tpu.memory_space<semaphore_mem>>)
      %dma_wait3A_570 = tpu.memref_slice %arg4[%mul3A_2] : memref<16384xi32, #tpu.memory_space<hbm>> -> memref<512xi32, #tpu.memory_space<hbm>>
      %dma_wait3A_571 = tpu.memref_slice %arg4[%mul3A_2] : memref<16384xi32, #tpu.memory_space<hbm>> -> memref<512xi32, #tpu.memory_space<hbm>>
      tpu.wait_dma2 semaphore(%run_scoped3A : memref<!tpu.dma_semaphore, #tpu.memory_space<semaphore_mem>>) src(%dma_wait3A_571 : memref<512xi32, #tpu.memory_space<hbm>>) dst(%arg7 : memref<512xi32, #tpu.memory_space<vmem>>)
      tpu.yield
    }) : () -> ()
    %get3A = arith.constant 0 : index
    %get3A_3 = tpu.vector_load %arg7[%get3A] {strides = array<i32>} : memref<512xi32, #tpu.memory_space<vmem>>, vector<16xi32>,
    %get3A_4 = vector.shape_cast %get3A_3 : vector<16xi32> to vector<16xi32>
    %ne3A = arith.constant 0 : i32
    %ne3A_5 = vector.broadcast %ne3A : i32 to vector<16xi32>
    %ne3A_6 = arith.cmpi ne, %get3A_4, %ne3A_5 : vector<16xi32>
    %get3A_7 = arith.constant 0 : index
    %get3A_8 = tpu.vector_load %arg6[%get3A_7] {strides = array<i32>} : memref<512xi32, #tpu.memory_space<vmem>>, vector<16xi32>,
    %get3A_9 = vector.shape_cast %get3A_8 : vector<16xi32> to vector<16xi32>
    %jit3A = arith.constant 1000000 : i32
    %broadcast_in_dim3A = vector.broadcast %jit3A : i32 to vector<16xi32>
    %select_n3A = arith.select %ne3A_6, %broadcast_in_dim3A, %get3A_9 : vector<16xi1>, vector<16xi32>
    %swap3A = arith.constant 0 : index
    %swap3A_10 = tpu.vector_load %arg6[%swap3A] {strides = array<i32>} : memref<512xi32, #tpu.memory_space<vmem>>, vector<16xi32>,
    %swap3A_11 = vector.shape_cast %swap3A_10 : vector<16xi32> to vector<16xi32>
    %swap3A_12 = vector.shape_cast %select_n3A : vector<16xi32> to vector<16xi32>
    tpu.vector_store %arg6[%swap3A], %swap3A_12 {strides = array<i32>} : memref<512xi32, #tpu.memory_space<vmem>>, vector<16xi32>,
    %get3A_13 = arith.constant 16 : index
    %get3A_14 = tpu.vector_load %arg7[%get3A_13] {strides = array<i32>} : memref<512xi32, #tpu.memory_space<vmem>>, vector<16xi32>,
    %get3A_15 = vector.shape_cast %get3A_14 : vector<16xi32> to vector<16xi32>
    %ne3A_16 = arith.constant 0 : i32
    %ne3A_17 = vector.broadcast %ne3A_16 : i32 to vector<16xi32>
    %ne3A_18 = arith.cmpi ne, %get3A_15, %ne3A_17 : vector<16xi32>
    %get3A_19 = arith.constant 16 : index
    %get3A_20 = tpu.vector_load %arg6[%get3A_19] {strides = array<i32>} : memref<512xi32, #tpu.memory_space<vmem>>, vector<16xi32>,
    %get3A_21 = vector.shape_cast %get3A_20 : vector<16xi32> to vector<16xi32>
    %jit3A_22 = arith.constant 1000000 : i32
    %broadcast_in_dim3A_23 = vector.broadcast %jit3A_22 : i32 to vector<16xi32>
    %select_n3A_24 = arith.select %ne3A_18, %broadcast_in_dim3A_23, %get3A_21 : vector<16xi1>, vector<16xi32>
    %swap3A_25 = arith.constant 16 : index
    %swap3A_26 = tpu.vector_load %arg6[%swap3A_25] {strides = array<i32>} : memref<512xi32, #tpu.memory_space<vmem>>, vector<16xi32>,
    %swap3A_27 = vector.shape_cast %swap3A_26 : vector<16xi32> to vector<16xi32>
    %swap3A_28 = vector.shape_cast %select_n3A_24 : vector<16xi32> to vector<16xi32>
    tpu.vector_store %arg6[%swap3A_25], %swap3A_28 {strides = array<i32>} : memref<512xi32, #tpu.memory_space<vmem>>, vector<16xi32>,
    %get3A_29 = arith.constant 32 : index
    %get3A_30 = tpu.vector_load %arg7[%get3A_29] {strides = array<i32>} : memref<512xi32, #tpu.memory_space<vmem>>, vector<16xi32>,
    %get3A_31 = vector.shape_cast %get3A_30 : vector<16xi32> to vector<16xi32>
    %ne3A_32 = arith.constant 0 : i32
    %ne3A_33 = vector.broadcast %ne3A_32 : i32 to vector<16xi32>
    %ne3A_34 = arith.cmpi ne, %get3A_31, %ne3A_33 : vector<16xi32>
    %get3A_35 = arith.constant 32 : index
    %get3A_36 = tpu.vector_load %arg6[%get3A_35] {strides = array<i32>} : memref<512xi32, #tpu.memory_space<vmem>>, vector<16xi32>,
    %get3A_37 = vector.shape_cast %get3A_36 : vector<16xi32> to vector<16xi32>
    %jit3A_38 = arith.constant 1000000 : i32
    %broadcast_in_dim3A_39 = vector.broadcast %jit3A_38 : i32 to vector<16xi32>
    %select_n3A_40 = arith.select %ne3A_34, %broadcast_in_dim3A_39, %get3A_37 : vector<16xi1>, vector<16xi32>
    %swap3A_41 = arith.constant 32 : index
    %swap3A_42 = tpu.vector_load %arg6[%swap3A_41] {strides = array<i32>} : memref<512xi32, #tpu.memory_space<vmem>>, vector<16xi32>,
    %swap3A_43 = vector.shape_cast %swap3A_42 : vector<16xi32> to vector<16xi32>
    %swap3A_44 = vector.shape_cast %select_n3A_40 : vector<16xi32> to vector<16xi32>
    tpu.vector_store %arg6[%swap3A_41], %swap3A_44 {strides = array<i32>} : memref<512xi32, #tpu.memory_space<vmem>>, vector<16xi32>,
    %get3A_45 = arith.constant 48 : index
    %get3A_46 = tpu.vector_load %arg7[%get3A_45] {strides = array<i32>} : memref<512xi32, #tpu.memory_space<vmem>>, vector<16xi32>,
    %get3A_47 = vector.shape_cast %get3A_46 : vector<16xi32> to vector<16xi32>
    %ne3A_48 = arith.constant 0 : i32
    %ne3A_49 = vector.broadcast %ne3A_48 : i32 to vector<16xi32>
    %ne3A_50 = arith.cmpi ne, %get3A_47, %ne3A_49 : vector<16xi32>
    %get3A_51 = arith.constant 48 : index
    %get3A_52 = tpu.vector_load %arg6[%get3A_51] {strides = array<i32>} : memref<512xi32, #tpu.memory_space<vmem>>, vector<16xi32>,
    %get3A_53 = vector.shape_cast %get3A_52 : vector<16xi32> to vector<16xi32>
    %jit3A_54 = arith.constant 1000000 : i32
    %broadcast_in_dim3A_55 = vector.broadcast %jit3A_54 : i32 to vector<16xi32>
    %select_n3A_56 = arith.select %ne3A_50, %broadcast_in_dim3A_55, %get3A_53 : vector<16xi1>, vector<16xi32>
    %swap3A_57 = arith.constant 48 : index
    %swap3A_58 = tpu.vector_load %arg6[%swap3A_57] {strides = array<i32>} : memref<512xi32, #tpu.memory_space<vmem>>, vector<16xi32>,
    %swap3A_59 = vector.shape_cast %swap3A_58 : vector<16xi32> to vector<16xi32>
    %swap3A_60 = vector.shape_cast %select_n3A_56 : vector<16xi32> to vector<16xi32>
    tpu.vector_store %arg6[%swap3A_57], %swap3A_60 {strides = array<i32>} : memref<512xi32, #tpu.memory_space<vmem>>, vector<16xi32>,
    %get3A_61 = arith.constant 64 : index
    %get3A_62 = tpu.vector_load %arg7[%get3A_61] {strides = array<i32>} : memref<512xi32, #tpu.memory_space<vmem>>, vector<16xi32>,
    %get3A_63 = vector.shape_cast %get3A_62 : vector<16xi32> to vector<16xi32>
    %ne3A_64 = arith.constant 0 : i32
    %ne3A_65 = vector.broadcast %ne3A_64 : i32 to vector<16xi32>
    %ne3A_66 = arith.cmpi ne, %get3A_63, %ne3A_65 : vector<16xi32>
    %get3A_67 = arith.constant 64 : index
    %get3A_68 = tpu.vector_load %arg6[%get3A_67] {strides = array<i32>} : memref<512xi32, #tpu.memory_space<vmem>>, vector<16xi32>,
    %get3A_69 = vector.shape_cast %get3A_68 : vector<16xi32> to vector<16xi32>
    %jit3A_70 = arith.constant 1000000 : i32
    %broadcast_in_dim3A_71 = vector.broadcast %jit3A_70 : i32 to vector<16xi32>
    %select_n3A_72 = arith.select %ne3A_66, %broadcast_in_dim3A_71, %get3A_69 : vector<16xi1>, vector<16xi32>
    %swap3A_73 = arith.constant 64 : index
    %swap3A_74 = tpu.vector_load %arg6[%swap3A_73] {strides = array<i32>} : memref<512xi32, #tpu.memory_space<vmem>>, vector<16xi32>,
    %swap3A_75 = vector.shape_cast %swap3A_74 : vector<16xi32> to vector<16xi32>
    %swap3A_76 = vector.shape_cast %select_n3A_72 : vector<16xi32> to vector<16xi32>
    tpu.vector_store %arg6[%swap3A_73], %swap3A_76 {strides = array<i32>} : memref<512xi32, #tpu.memory_space<vmem>>, vector<16xi32>,
    %get3A_77 = arith.constant 80 : index
    %get3A_78 = tpu.vector_load %arg7[%get3A_77] {strides = array<i32>} : memref<512xi32, #tpu.memory_space<vmem>>, vector<16xi32>,
    %get3A_79 = vector.shape_cast %get3A_78 : vector<16xi32> to vector<16xi32>
    %ne3A_80 = arith.constant 0 : i32
    %ne3A_81 = vector.broadcast %ne3A_80 : i32 to vector<16xi32>
    %ne3A_82 = arith.cmpi ne, %get3A_79, %ne3A_81 : vector<16xi32>
    %get3A_83 = arith.constant 80 : index
    %get3A_84 = tpu.vector_load %arg6[%get3A_83] {strides = array<i32>} : memref<512xi32, #tpu.memory_space<vmem>>, vector<16xi32>,
    %get3A_85 = vector.shape_cast %get3A_84 : vector<16xi32> to vector<16xi32>
    %jit3A_86 = arith.constant 1000000 : i32
    %broadcast_in_dim3A_87 = vector.broadcast %jit3A_86 : i32 to vector<16xi32>
    %select_n3A_88 = arith.select %ne3A_82, %broadcast_in_dim3A_87, %get3A_85 : vector<16xi1>, vector<16xi32>
    %swap3A_89 = arith.constant 80 : index
    %swap3A_90 = tpu.vector_load %arg6[%swap3A_89] {strides = array<i32>} : memref<512xi32, #tpu.memory_space<vmem>>, vector<16xi32>,
    %swap3A_91 = vector.shape_cast %swap3A_90 : vector<16xi32> to vector<16xi32>
    %swap3A_92 = vector.shape_cast %select_n3A_88 : vector<16xi32> to vector<16xi32>
    tpu.vector_store %arg6[%swap3A_89], %swap3A_92 {strides = array<i32>} : memref<512xi32, #tpu.memory_space<vmem>>, vector<16xi32>,
    %get3A_93 = arith.constant 96 : index
    %get3A_94 = tpu.vector_load %arg7[%get3A_93] {strides = array<i32>} : memref<512xi32, #tpu.memory_space<vmem>>, vector<16xi32>,
    %get3A_95 = vector.shape_cast %get3A_94 : vector<16xi32> to vector<16xi32>
    %ne3A_96 = arith.constant 0 : i32
    %ne3A_97 = vector.broadcast %ne3A_96 : i32 to vector<16xi32>
    %ne3A_98 = arith.cmpi ne, %get3A_95, %ne3A_97 : vector<16xi32>
    %get3A_99 = arith.constant 96 : index
    %get3A_100 = tpu.vector_load %arg6[%get3A_99] {strides = array<i32>} : memref<512xi32, #tpu.memory_space<vmem>>, vector<16xi32>,
    %get3A_101 = vector.shape_cast %get3A_100 : vector<16xi32> to vector<16xi32>
    %jit3A_102 = arith.constant 1000000 : i32
    %broadcast_in_dim3A_103 = vector.broadcast %jit3A_102 : i32 to vector<16xi32>
    %select_n3A_104 = arith.select %ne3A_98, %broadcast_in_dim3A_103, %get3A_101 : vector<16xi1>, vector<16xi32>
    %swap3A_105 = arith.constant 96 : index
    %swap3A_106 = tpu.vector_load %arg6[%swap3A_105] {strides = array<i32>} : memref<512xi32, #tpu.memory_space<vmem>>, vector<16xi32>,
    %swap3A_107 = vector.shape_cast %swap3A_106 : vector<16xi32> to vector<16xi32>
    %swap3A_108 = vector.shape_cast %select_n3A_104 : vector<16xi32> to vector<16xi32>
    tpu.vector_store %arg6[%swap3A_105], %swap3A_108 {strides = array<i32>} : memref<512xi32, #tpu.memory_space<vmem>>, vector<16xi32>,
    %get3A_109 = arith.constant 112 : index
    %get3A_110 = tpu.vector_load %arg7[%get3A_109] {strides = array<i32>} : memref<512xi32, #tpu.memory_space<vmem>>, vector<16xi32>,
    %get3A_111 = vector.shape_cast %get3A_110 : vector<16xi32> to vector<16xi32>
    %ne3A_112 = arith.constant 0 : i32
    %ne3A_113 = vector.broadcast %ne3A_112 : i32 to vector<16xi32>
    %ne3A_114 = arith.cmpi ne, %get3A_111, %ne3A_113 : vector<16xi32>
    %get3A_115 = arith.constant 112 : index
    %get3A_116 = tpu.vector_load %arg6[%get3A_115] {strides = array<i32>} : memref<512xi32, #tpu.memory_space<vmem>>, vector<16xi32>,
    %get3A_117 = vector.shape_cast %get3A_116 : vector<16xi32> to vector<16xi32>
    %jit3A_118 = arith.constant 1000000 : i32
    %broadcast_in_dim3A_119 = vector.broadcast %jit3A_118 : i32 to vector<16xi32>
    %select_n3A_120 = arith.select %ne3A_114, %broadcast_in_dim3A_119, %get3A_117 : vector<16xi1>, vector<16xi32>
    %swap3A_121 = arith.constant 112 : index
    %swap3A_122 = tpu.vector_load %arg6[%swap3A_121] {strides = array<i32>} : memref<512xi32, #tpu.memory_space<vmem>>, vector<16xi32>,
    %swap3A_123 = vector.shape_cast %swap3A_122 : vector<16xi32> to vector<16xi32>
    %swap3A_124 = vector.shape_cast %select_n3A_120 : vector<16xi32> to vector<16xi32>
    tpu.vector_store %arg6[%swap3A_121], %swap3A_124 {strides = array<i32>} : memref<512xi32, #tpu.memory_space<vmem>>, vector<16xi32>,
    %get3A_125 = arith.constant 128 : index
    %get3A_126 = tpu.vector_load %arg7[%get3A_125] {strides = array<i32>} : memref<512xi32, #tpu.memory_space<vmem>>, vector<16xi32>,
    %get3A_127 = vector.shape_cast %get3A_126 : vector<16xi32> to vector<16xi32>
    %ne3A_128 = arith.constant 0 : i32
    %ne3A_129 = vector.broadcast %ne3A_128 : i32 to vector<16xi32>
    %ne3A_130 = arith.cmpi ne, %get3A_127, %ne3A_129 : vector<16xi32>
    %get3A_131 = arith.constant 128 : index
    %get3A_132 = tpu.vector_load %arg6[%get3A_131] {strides = array<i32>} : memref<512xi32, #tpu.memory_space<vmem>>, vector<16xi32>,
    %get3A_133 = vector.shape_cast %get3A_132 : vector<16xi32> to vector<16xi32>
    %jit3A_134 = arith.constant 1000000 : i32
    %broadcast_in_dim3A_135 = vector.broadcast %jit3A_134 : i32 to vector<16xi32>
    %select_n3A_136 = arith.select %ne3A_130, %broadcast_in_dim3A_135, %get3A_133 : vector<16xi1>, vector<16xi32>
    %swap3A_137 = arith.constant 128 : index
    %swap3A_138 = tpu.vector_load %arg6[%swap3A_137] {strides = array<i32>} : memref<512xi32, #tpu.memory_space<vmem>>, vector<16xi32>,
    %swap3A_139 = vector.shape_cast %swap3A_138 : vector<16xi32> to vector<16xi32>
    %swap3A_140 = vector.shape_cast %select_n3A_136 : vector<16xi32> to vector<16xi32>
    tpu.vector_store %arg6[%swap3A_137], %swap3A_140 {strides = array<i32>} : memref<512xi32, #tpu.memory_space<vmem>>, vector<16xi32>,
    %get3A_141 = arith.constant 144 : index
    %get3A_142 = tpu.vector_load %arg7[%get3A_141] {strides = array<i32>} : memref<512xi32, #tpu.memory_space<vmem>>, vector<16xi32>,
    %get3A_143 = vector.shape_cast %get3A_142 : vector<16xi32> to vector<16xi32>
    %ne3A_144 = arith.constant 0 : i32
    %ne3A_145 = vector.broadcast %ne3A_144 : i32 to vector<16xi32>
    %ne3A_146 = arith.cmpi ne, %get3A_143, %ne3A_145 : vector<16xi32>
    %get3A_147 = arith.constant 144 : index
    %get3A_148 = tpu.vector_load %arg6[%get3A_147] {strides = array<i32>} : memref<512xi32, #tpu.memory_space<vmem>>, vector<16xi32>,
    %get3A_149 = vector.shape_cast %get3A_148 : vector<16xi32> to vector<16xi32>
    %jit3A_150 = arith.constant 1000000 : i32
    %broadcast_in_dim3A_151 = vector.broadcast %jit3A_150 : i32 to vector<16xi32>
    %select_n3A_152 = arith.select %ne3A_146, %broadcast_in_dim3A_151, %get3A_149 : vector<16xi1>, vector<16xi32>
    %swap3A_153 = arith.constant 144 : index
    %swap3A_154 = tpu.vector_load %arg6[%swap3A_153] {strides = array<i32>} : memref<512xi32, #tpu.memory_space<vmem>>, vector<16xi32>,
    %swap3A_155 = vector.shape_cast %swap3A_154 : vector<16xi32> to vector<16xi32>
    %swap3A_156 = vector.shape_cast %select_n3A_152 : vector<16xi32> to vector<16xi32>
    tpu.vector_store %arg6[%swap3A_153], %swap3A_156 {strides = array<i32>} : memref<512xi32, #tpu.memory_space<vmem>>, vector<16xi32>,
    %get3A_157 = arith.constant 160 : index
    %get3A_158 = tpu.vector_load %arg7[%get3A_157] {strides = array<i32>} : memref<512xi32, #tpu.memory_space<vmem>>, vector<16xi32>,
    %get3A_159 = vector.shape_cast %get3A_158 : vector<16xi32> to vector<16xi32>
    %ne3A_160 = arith.constant 0 : i32
    %ne3A_161 = vector.broadcast %ne3A_160 : i32 to vector<16xi32>
    %ne3A_162 = arith.cmpi ne, %get3A_159, %ne3A_161 : vector<16xi32>
    %get3A_163 = arith.constant 160 : index
    %get3A_164 = tpu.vector_load %arg6[%get3A_163] {strides = array<i32>} : memref<512xi32, #tpu.memory_space<vmem>>, vector<16xi32>,
    %get3A_165 = vector.shape_cast %get3A_164 : vector<16xi32> to vector<16xi32>
    %jit3A_166 = arith.constant 1000000 : i32
    %broadcast_in_dim3A_167 = vector.broadcast %jit3A_166 : i32 to vector<16xi32>
    %select_n3A_168 = arith.select %ne3A_162, %broadcast_in_dim3A_167, %get3A_165 : vector<16xi1>, vector<16xi32>
    %swap3A_169 = arith.constant 160 : index
    %swap3A_170 = tpu.vector_load %arg6[%swap3A_169] {strides = array<i32>} : memref<512xi32, #tpu.memory_space<vmem>>, vector<16xi32>,
    %swap3A_171 = vector.shape_cast %swap3A_170 : vector<16xi32> to vector<16xi32>
    %swap3A_172 = vector.shape_cast %select_n3A_168 : vector<16xi32> to vector<16xi32>
    tpu.vector_store %arg6[%swap3A_169], %swap3A_172 {strides = array<i32>} : memref<512xi32, #tpu.memory_space<vmem>>, vector<16xi32>,
    %get3A_173 = arith.constant 176 : index
    %get3A_174 = tpu.vector_load %arg7[%get3A_173] {strides = array<i32>} : memref<512xi32, #tpu.memory_space<vmem>>, vector<16xi32>,
    %get3A_175 = vector.shape_cast %get3A_174 : vector<16xi32> to vector<16xi32>
    %ne3A_176 = arith.constant 0 : i32
    %ne3A_177 = vector.broadcast %ne3A_176 : i32 to vector<16xi32>
    %ne3A_178 = arith.cmpi ne, %get3A_175, %ne3A_177 : vector<16xi32>
    %get3A_179 = arith.constant 176 : index
    %get3A_180 = tpu.vector_load %arg6[%get3A_179] {strides = array<i32>} : memref<512xi32, #tpu.memory_space<vmem>>, vector<16xi32>,
    %get3A_181 = vector.shape_cast %get3A_180 : vector<16xi32> to vector<16xi32>
    %jit3A_182 = arith.constant 1000000 : i32
    %broadcast_in_dim3A_183 = vector.broadcast %jit3A_182 : i32 to vector<16xi32>
    %select_n3A_184 = arith.select %ne3A_178, %broadcast_in_dim3A_183, %get3A_181 : vector<16xi1>, vector<16xi32>
    %swap3A_185 = arith.constant 176 : index
    %swap3A_186 = tpu.vector_load %arg6[%swap3A_185] {strides = array<i32>} : memref<512xi32, #tpu.memory_space<vmem>>, vector<16xi32>,
    %swap3A_187 = vector.shape_cast %swap3A_186 : vector<16xi32> to vector<16xi32>
    %swap3A_188 = vector.shape_cast %select_n3A_184 : vector<16xi32> to vector<16xi32>
    tpu.vector_store %arg6[%swap3A_185], %swap3A_188 {strides = array<i32>} : memref<512xi32, #tpu.memory_space<vmem>>, vector<16xi32>,
    %get3A_189 = arith.constant 192 : index
    %get3A_190 = tpu.vector_load %arg7[%get3A_189] {strides = array<i32>} : memref<512xi32, #tpu.memory_space<vmem>>, vector<16xi32>,
    %get3A_191 = vector.shape_cast %get3A_190 : vector<16xi32> to vector<16xi32>
    %ne3A_192 = arith.constant 0 : i32
    %ne3A_193 = vector.broadcast %ne3A_192 : i32 to vector<16xi32>
    %ne3A_194 = arith.cmpi ne, %get3A_191, %ne3A_193 : vector<16xi32>
    %get3A_195 = arith.constant 192 : index
    %get3A_196 = tpu.vector_load %arg6[%get3A_195] {strides = array<i32>} : memref<512xi32, #tpu.memory_space<vmem>>, vector<16xi32>,
    %get3A_197 = vector.shape_cast %get3A_196 : vector<16xi32> to vector<16xi32>
    %jit3A_198 = arith.constant 1000000 : i32
    %broadcast_in_dim3A_199 = vector.broadcast %jit3A_198 : i32 to vector<16xi32>
    %select_n3A_200 = arith.select %ne3A_194, %broadcast_in_dim3A_199, %get3A_197 : vector<16xi1>, vector<16xi32>
    %swap3A_201 = arith.constant 192 : index
    %swap3A_202 = tpu.vector_load %arg6[%swap3A_201] {strides = array<i32>} : memref<512xi32, #tpu.memory_space<vmem>>, vector<16xi32>,
    %swap3A_203 = vector.shape_cast %swap3A_202 : vector<16xi32> to vector<16xi32>
    %swap3A_204 = vector.shape_cast %select_n3A_200 : vector<16xi32> to vector<16xi32>
    tpu.vector_store %arg6[%swap3A_201], %swap3A_204 {strides = array<i32>} : memref<512xi32, #tpu.memory_space<vmem>>, vector<16xi32>,
    %get3A_205 = arith.constant 208 : index
    %get3A_206 = tpu.vector_load %arg7[%get3A_205] {strides = array<i32>} : memref<512xi32, #tpu.memory_space<vmem>>, vector<16xi32>,
    %get3A_207 = vector.shape_cast %get3A_206 : vector<16xi32> to vector<16xi32>
    %ne3A_208 = arith.constant 0 : i32
    %ne3A_209 = vector.broadcast %ne3A_208 : i32 to vector<16xi32>
    %ne3A_210 = arith.cmpi ne, %get3A_207, %ne3A_209 : vector<16xi32>
    %get3A_211 = arith.constant 208 : index
    %get3A_212 = tpu.vector_load %arg6[%get3A_211] {strides = array<i32>} : memref<512xi32, #tpu.memory_space<vmem>>, vector<16xi32>,
    %get3A_213 = vector.shape_cast %get3A_212 : vector<16xi32> to vector<16xi32>
    %jit3A_214 = arith.constant 1000000 : i32
    %broadcast_in_dim3A_215 = vector.broadcast %jit3A_214 : i32 to vector<16xi32>
    %select_n3A_216 = arith.select %ne3A_210, %broadcast_in_dim3A_215, %get3A_213 : vector<16xi1>, vector<16xi32>
    %swap3A_217 = arith.constant 208 : index
    %swap3A_218 = tpu.vector_load %arg6[%swap3A_217] {strides = array<i32>} : memref<512xi32, #tpu.memory_space<vmem>>, vector<16xi32>,
    %swap3A_219 = vector.shape_cast %swap3A_218 : vector<16xi32> to vector<16xi32>
    %swap3A_220 = vector.shape_cast %select_n3A_216 : vector<16xi32> to vector<16xi32>
    tpu.vector_store %arg6[%swap3A_217], %swap3A_220 {strides = array<i32>} : memref<512xi32, #tpu.memory_space<vmem>>, vector<16xi32>,
    %get3A_221 = arith.constant 224 : index
    %get3A_222 = tpu.vector_load %arg7[%get3A_221] {strides = array<i32>} : memref<512xi32, #tpu.memory_space<vmem>>, vector<16xi32>,
    %get3A_223 = vector.shape_cast %get3A_222 : vector<16xi32> to vector<16xi32>
    %ne3A_224 = arith.constant 0 : i32
    %ne3A_225 = vector.broadcast %ne3A_224 : i32 to vector<16xi32>
    %ne3A_226 = arith.cmpi ne, %get3A_223, %ne3A_225 : vector<16xi32>
    %get3A_227 = arith.constant 224 : index
    %get3A_228 = tpu.vector_load %arg6[%get3A_227] {strides = array<i32>} : memref<512xi32, #tpu.memory_space<vmem>>, vector<16xi32>,
    %get3A_229 = vector.shape_cast %get3A_228 : vector<16xi32> to vector<16xi32>
    %jit3A_230 = arith.constant 1000000 : i32
    %broadcast_in_dim3A_231 = vector.broadcast %jit3A_230 : i32 to vector<16xi32>
    %select_n3A_232 = arith.select %ne3A_226, %broadcast_in_dim3A_231, %get3A_229 : vector<16xi1>, vector<16xi32>
    %swap3A_233 = arith.constant 224 : index
    %swap3A_234 = tpu.vector_load %arg6[%swap3A_233] {strides = array<i32>} : memref<512xi32, #tpu.memory_space<vmem>>, vector<16xi32>,
    %swap3A_235 = vector.shape_cast %swap3A_234 : vector<16xi32> to vector<16xi32>
    %swap3A_236 = vector.shape_cast %select_n3A_232 : vector<16xi32> to vector<16xi32>
    tpu.vector_store %arg6[%swap3A_233], %swap3A_236 {strides = array<i32>} : memref<512xi32, #tpu.memory_space<vmem>>, vector<16xi32>,
    %get3A_237 = arith.constant 240 : index
    %get3A_238 = tpu.vector_load %arg7[%get3A_237] {strides = array<i32>} : memref<512xi32, #tpu.memory_space<vmem>>, vector<16xi32>,
    %get3A_239 = vector.shape_cast %get3A_238 : vector<16xi32> to vector<16xi32>
    %ne3A_240 = arith.constant 0 : i32
    %ne3A_241 = vector.broadcast %ne3A_240 : i32 to vector<16xi32>
    %ne3A_242 = arith.cmpi ne, %get3A_239, %ne3A_241 : vector<16xi32>
    %get3A_243 = arith.constant 240 : index
    %get3A_244 = tpu.vector_load %arg6[%get3A_243] {strides = array<i32>} : memref<512xi32, #tpu.memory_space<vmem>>, vector<16xi32>,
    %get3A_245 = vector.shape_cast %get3A_244 : vector<16xi32> to vector<16xi32>
    %jit3A_246 = arith.constant 1000000 : i32
    %broadcast_in_dim3A_247 = vector.broadcast %jit3A_246 : i32 to vector<16xi32>
    %select_n3A_248 = arith.select %ne3A_242, %broadcast_in_dim3A_247, %get3A_245 : vector<16xi1>, vector<16xi32>
    %swap3A_249 = arith.constant 240 : index
    %swap3A_250 = tpu.vector_load %arg6[%swap3A_249] {strides = array<i32>} : memref<512xi32, #tpu.memory_space<vmem>>, vector<16xi32>,
    %swap3A_251 = vector.shape_cast %swap3A_250 : vector<16xi32> to vector<16xi32>
    %swap3A_252 = vector.shape_cast %select_n3A_248 : vector<16xi32> to vector<16xi32>
    tpu.vector_store %arg6[%swap3A_249], %swap3A_252 {strides = array<i32>} : memref<512xi32, #tpu.memory_space<vmem>>, vector<16xi32>,
    %get3A_253 = arith.constant 256 : index
    %get3A_254 = tpu.vector_load %arg7[%get3A_253] {strides = array<i32>} : memref<512xi32, #tpu.memory_space<vmem>>, vector<16xi32>,
    %get3A_255 = vector.shape_cast %get3A_254 : vector<16xi32> to vector<16xi32>
    %ne3A_256 = arith.constant 0 : i32
    %ne3A_257 = vector.broadcast %ne3A_256 : i32 to vector<16xi32>
    %ne3A_258 = arith.cmpi ne, %get3A_255, %ne3A_257 : vector<16xi32>
    %get3A_259 = arith.constant 256 : index
    %get3A_260 = tpu.vector_load %arg6[%get3A_259] {strides = array<i32>} : memref<512xi32, #tpu.memory_space<vmem>>, vector<16xi32>,
    %get3A_261 = vector.shape_cast %get3A_260 : vector<16xi32> to vector<16xi32>
    %jit3A_262 = arith.constant 1000000 : i32
    %broadcast_in_dim3A_263 = vector.broadcast %jit3A_262 : i32 to vector<16xi32>
    %select_n3A_264 = arith.select %ne3A_258, %broadcast_in_dim3A_263, %get3A_261 : vector<16xi1>, vector<16xi32>
    %swap3A_265 = arith.constant 256 : index
    %swap3A_266 = tpu.vector_load %arg6[%swap3A_265] {strides = array<i32>} : memref<512xi32, #tpu.memory_space<vmem>>, vector<16xi32>,
    %swap3A_267 = vector.shape_cast %swap3A_266 : vector<16xi32> to vector<16xi32>
    %swap3A_268 = vector.shape_cast %select_n3A_264 : vector<16xi32> to vector<16xi32>
    tpu.vector_store %arg6[%swap3A_265], %swap3A_268 {strides = array<i32>} : memref<512xi32, #tpu.memory_space<vmem>>, vector<16xi32>,
    %get3A_269 = arith.constant 272 : index
    %get3A_270 = tpu.vector_load %arg7[%get3A_269] {strides = array<i32>} : memref<512xi32, #tpu.memory_space<vmem>>, vector<16xi32>,
    %get3A_271 = vector.shape_cast %get3A_270 : vector<16xi32> to vector<16xi32>
    %ne3A_272 = arith.constant 0 : i32
    %ne3A_273 = vector.broadcast %ne3A_272 : i32 to vector<16xi32>
    %ne3A_274 = arith.cmpi ne, %get3A_271, %ne3A_273 : vector<16xi32>
    %get3A_275 = arith.constant 272 : index
    %get3A_276 = tpu.vector_load %arg6[%get3A_275] {strides = array<i32>} : memref<512xi32, #tpu.memory_space<vmem>>, vector<16xi32>,
    %get3A_277 = vector.shape_cast %get3A_276 : vector<16xi32> to vector<16xi32>
    %jit3A_278 = arith.constant 1000000 : i32
    %broadcast_in_dim3A_279 = vector.broadcast %jit3A_278 : i32 to vector<16xi32>
    %select_n3A_280 = arith.select %ne3A_274, %broadcast_in_dim3A_279, %get3A_277 : vector<16xi1>, vector<16xi32>
    %swap3A_281 = arith.constant 272 : index
    %swap3A_282 = tpu.vector_load %arg6[%swap3A_281] {strides = array<i32>} : memref<512xi32, #tpu.memory_space<vmem>>, vector<16xi32>,
    %swap3A_283 = vector.shape_cast %swap3A_282 : vector<16xi32> to vector<16xi32>
    %swap3A_284 = vector.shape_cast %select_n3A_280 : vector<16xi32> to vector<16xi32>
    tpu.vector_store %arg6[%swap3A_281], %swap3A_284 {strides = array<i32>} : memref<512xi32, #tpu.memory_space<vmem>>, vector<16xi32>,
    %get3A_285 = arith.constant 288 : index
    %get3A_286 = tpu.vector_load %arg7[%get3A_285] {strides = array<i32>} : memref<512xi32, #tpu.memory_space<vmem>>, vector<16xi32>,
    %get3A_287 = vector.shape_cast %get3A_286 : vector<16xi32> to vector<16xi32>
    %ne3A_288 = arith.constant 0 : i32
    %ne3A_289 = vector.broadcast %ne3A_288 : i32 to vector<16xi32>
    %ne3A_290 = arith.cmpi ne, %get3A_287, %ne3A_289 : vector<16xi32>
    %get3A_291 = arith.constant 288 : index
    %get3A_292 = tpu.vector_load %arg6[%get3A_291] {strides = array<i32>} : memref<512xi32, #tpu.memory_space<vmem>>, vector<16xi32>,
    %get3A_293 = vector.shape_cast %get3A_292 : vector<16xi32> to vector<16xi32>
    %jit3A_294 = arith.constant 1000000 : i32
    %broadcast_in_dim3A_295 = vector.broadcast %jit3A_294 : i32 to vector<16xi32>
    %select_n3A_296 = arith.select %ne3A_290, %broadcast_in_dim3A_295, %get3A_293 : vector<16xi1>, vector<16xi32>
    %swap3A_297 = arith.constant 288 : index
    %swap3A_298 = tpu.vector_load %arg6[%swap3A_297] {strides = array<i32>} : memref<512xi32, #tpu.memory_space<vmem>>, vector<16xi32>,
    %swap3A_299 = vector.shape_cast %swap3A_298 : vector<16xi32> to vector<16xi32>
    %swap3A_300 = vector.shape_cast %select_n3A_296 : vector<16xi32> to vector<16xi32>
    tpu.vector_store %arg6[%swap3A_297], %swap3A_300 {strides = array<i32>} : memref<512xi32, #tpu.memory_space<vmem>>, vector<16xi32>,
    %get3A_301 = arith.constant 304 : index
    %get3A_302 = tpu.vector_load %arg7[%get3A_301] {strides = array<i32>} : memref<512xi32, #tpu.memory_space<vmem>>, vector<16xi32>,
    %get3A_303 = vector.shape_cast %get3A_302 : vector<16xi32> to vector<16xi32>
    %ne3A_304 = arith.constant 0 : i32
    %ne3A_305 = vector.broadcast %ne3A_304 : i32 to vector<16xi32>
    %ne3A_306 = arith.cmpi ne, %get3A_303, %ne3A_305 : vector<16xi32>
    %get3A_307 = arith.constant 304 : index
    %get3A_308 = tpu.vector_load %arg6[%get3A_307] {strides = array<i32>} : memref<512xi32, #tpu.memory_space<vmem>>, vector<16xi32>,
    %get3A_309 = vector.shape_cast %get3A_308 : vector<16xi32> to vector<16xi32>
    %jit3A_310 = arith.constant 1000000 : i32
    %broadcast_in_dim3A_311 = vector.broadcast %jit3A_310 : i32 to vector<16xi32>
    %select_n3A_312 = arith.select %ne3A_306, %broadcast_in_dim3A_311, %get3A_309 : vector<16xi1>, vector<16xi32>
    %swap3A_313 = arith.constant 304 : index
    %swap3A_314 = tpu.vector_load %arg6[%swap3A_313] {strides = array<i32>} : memref<512xi32, #tpu.memory_space<vmem>>, vector<16xi32>,
    %swap3A_315 = vector.shape_cast %swap3A_314 : vector<16xi32> to vector<16xi32>
    %swap3A_316 = vector.shape_cast %select_n3A_312 : vector<16xi32> to vector<16xi32>
    tpu.vector_store %arg6[%swap3A_313], %swap3A_316 {strides = array<i32>} : memref<512xi32, #tpu.memory_space<vmem>>, vector<16xi32>,
    %get3A_317 = arith.constant 320 : index
    %get3A_318 = tpu.vector_load %arg7[%get3A_317] {strides = array<i32>} : memref<512xi32, #tpu.memory_space<vmem>>, vector<16xi32>,
    %get3A_319 = vector.shape_cast %get3A_318 : vector<16xi32> to vector<16xi32>
    %ne3A_320 = arith.constant 0 : i32
    %ne3A_321 = vector.broadcast %ne3A_320 : i32 to vector<16xi32>
    %ne3A_322 = arith.cmpi ne, %get3A_319, %ne3A_321 : vector<16xi32>
    %get3A_323 = arith.constant 320 : index
    %get3A_324 = tpu.vector_load %arg6[%get3A_323] {strides = array<i32>} : memref<512xi32, #tpu.memory_space<vmem>>, vector<16xi32>,
    %get3A_325 = vector.shape_cast %get3A_324 : vector<16xi32> to vector<16xi32>
    %jit3A_326 = arith.constant 1000000 : i32
    %broadcast_in_dim3A_327 = vector.broadcast %jit3A_326 : i32 to vector<16xi32>
    %select_n3A_328 = arith.select %ne3A_322, %broadcast_in_dim3A_327, %get3A_325 : vector<16xi1>, vector<16xi32>
    %swap3A_329 = arith.constant 320 : index
    %swap3A_330 = tpu.vector_load %arg6[%swap3A_329] {strides = array<i32>} : memref<512xi32, #tpu.memory_space<vmem>>, vector<16xi32>,
    %swap3A_331 = vector.shape_cast %swap3A_330 : vector<16xi32> to vector<16xi32>
    %swap3A_332 = vector.shape_cast %select_n3A_328 : vector<16xi32> to vector<16xi32>
    tpu.vector_store %arg6[%swap3A_329], %swap3A_332 {strides = array<i32>} : memref<512xi32, #tpu.memory_space<vmem>>, vector<16xi32>,
    %get3A_333 = arith.constant 336 : index
    %get3A_334 = tpu.vector_load %arg7[%get3A_333] {strides = array<i32>} : memref<512xi32, #tpu.memory_space<vmem>>, vector<16xi32>,
    %get3A_335 = vector.shape_cast %get3A_334 : vector<16xi32> to vector<16xi32>
    %ne3A_336 = arith.constant 0 : i32
    %ne3A_337 = vector.broadcast %ne3A_336 : i32 to vector<16xi32>
    %ne3A_338 = arith.cmpi ne, %get3A_335, %ne3A_337 : vector<16xi32>
    %get3A_339 = arith.constant 336 : index
    %get3A_340 = tpu.vector_load %arg6[%get3A_339] {strides = array<i32>} : memref<512xi32, #tpu.memory_space<vmem>>, vector<16xi32>,
    %get3A_341 = vector.shape_cast %get3A_340 : vector<16xi32> to vector<16xi32>
    %jit3A_342 = arith.constant 1000000 : i32
    %broadcast_in_dim3A_343 = vector.broadcast %jit3A_342 : i32 to vector<16xi32>
    %select_n3A_344 = arith.select %ne3A_338, %broadcast_in_dim3A_343, %get3A_341 : vector<16xi1>, vector<16xi32>
    %swap3A_345 = arith.constant 336 : index
    %swap3A_346 = tpu.vector_load %arg6[%swap3A_345] {strides = array<i32>} : memref<512xi32, #tpu.memory_space<vmem>>, vector<16xi32>,
    %swap3A_347 = vector.shape_cast %swap3A_346 : vector<16xi32> to vector<16xi32>
    %swap3A_348 = vector.shape_cast %select_n3A_344 : vector<16xi32> to vector<16xi32>
    tpu.vector_store %arg6[%swap3A_345], %swap3A_348 {strides = array<i32>} : memref<512xi32, #tpu.memory_space<vmem>>, vector<16xi32>,
    %get3A_349 = arith.constant 352 : index
    %get3A_350 = tpu.vector_load %arg7[%get3A_349] {strides = array<i32>} : memref<512xi32, #tpu.memory_space<vmem>>, vector<16xi32>,
    %get3A_351 = vector.shape_cast %get3A_350 : vector<16xi32> to vector<16xi32>
    %ne3A_352 = arith.constant 0 : i32
    %ne3A_353 = vector.broadcast %ne3A_352 : i32 to vector<16xi32>
    %ne3A_354 = arith.cmpi ne, %get3A_351, %ne3A_353 : vector<16xi32>
    %get3A_355 = arith.constant 352 : index
    %get3A_356 = tpu.vector_load %arg6[%get3A_355] {strides = array<i32>} : memref<512xi32, #tpu.memory_space<vmem>>, vector<16xi32>,
    %get3A_357 = vector.shape_cast %get3A_356 : vector<16xi32> to vector<16xi32>
    %jit3A_358 = arith.constant 1000000 : i32
    %broadcast_in_dim3A_359 = vector.broadcast %jit3A_358 : i32 to vector<16xi32>
    %select_n3A_360 = arith.select %ne3A_354, %broadcast_in_dim3A_359, %get3A_357 : vector<16xi1>, vector<16xi32>
    %swap3A_361 = arith.constant 352 : index
    %swap3A_362 = tpu.vector_load %arg6[%swap3A_361] {strides = array<i32>} : memref<512xi32, #tpu.memory_space<vmem>>, vector<16xi32>,
    %swap3A_363 = vector.shape_cast %swap3A_362 : vector<16xi32> to vector<16xi32>
    %swap3A_364 = vector.shape_cast %select_n3A_360 : vector<16xi32> to vector<16xi32>
    tpu.vector_store %arg6[%swap3A_361], %swap3A_364 {strides = array<i32>} : memref<512xi32, #tpu.memory_space<vmem>>, vector<16xi32>,
    %get3A_365 = arith.constant 368 : index
    %get3A_366 = tpu.vector_load %arg7[%get3A_365] {strides = array<i32>} : memref<512xi32, #tpu.memory_space<vmem>>, vector<16xi32>,
    %get3A_367 = vector.shape_cast %get3A_366 : vector<16xi32> to vector<16xi32>
    %ne3A_368 = arith.constant 0 : i32
    %ne3A_369 = vector.broadcast %ne3A_368 : i32 to vector<16xi32>
    %ne3A_370 = arith.cmpi ne, %get3A_367, %ne3A_369 : vector<16xi32>
    %get3A_371 = arith.constant 368 : index
    %get3A_372 = tpu.vector_load %arg6[%get3A_371] {strides = array<i32>} : memref<512xi32, #tpu.memory_space<vmem>>, vector<16xi32>,
    %get3A_373 = vector.shape_cast %get3A_372 : vector<16xi32> to vector<16xi32>
    %jit3A_374 = arith.constant 1000000 : i32
    %broadcast_in_dim3A_375 = vector.broadcast %jit3A_374 : i32 to vector<16xi32>
    %select_n3A_376 = arith.select %ne3A_370, %broadcast_in_dim3A_375, %get3A_373 : vector<16xi1>, vector<16xi32>
    %swap3A_377 = arith.constant 368 : index
    %swap3A_378 = tpu.vector_load %arg6[%swap3A_377] {strides = array<i32>} : memref<512xi32, #tpu.memory_space<vmem>>, vector<16xi32>,
    %swap3A_379 = vector.shape_cast %swap3A_378 : vector<16xi32> to vector<16xi32>
    %swap3A_380 = vector.shape_cast %select_n3A_376 : vector<16xi32> to vector<16xi32>
    tpu.vector_store %arg6[%swap3A_377], %swap3A_380 {strides = array<i32>} : memref<512xi32, #tpu.memory_space<vmem>>, vector<16xi32>,
    %get3A_381 = arith.constant 384 : index
    %get3A_382 = tpu.vector_load %arg7[%get3A_381] {strides = array<i32>} : memref<512xi32, #tpu.memory_space<vmem>>, vector<16xi32>,
    %get3A_383 = vector.shape_cast %get3A_382 : vector<16xi32> to vector<16xi32>
    %ne3A_384 = arith.constant 0 : i32
    %ne3A_385 = vector.broadcast %ne3A_384 : i32 to vector<16xi32>
    %ne3A_386 = arith.cmpi ne, %get3A_383, %ne3A_385 : vector<16xi32>
    %get3A_387 = arith.constant 384 : index
    %get3A_388 = tpu.vector_load %arg6[%get3A_387] {strides = array<i32>} : memref<512xi32, #tpu.memory_space<vmem>>, vector<16xi32>,
    %get3A_389 = vector.shape_cast %get3A_388 : vector<16xi32> to vector<16xi32>
    %jit3A_390 = arith.constant 1000000 : i32
    %broadcast_in_dim3A_391 = vector.broadcast %jit3A_390 : i32 to vector<16xi32>
    %select_n3A_392 = arith.select %ne3A_386, %broadcast_in_dim3A_391, %get3A_389 : vector<16xi1>, vector<16xi32>
    %swap3A_393 = arith.constant 384 : index
    %swap3A_394 = tpu.vector_load %arg6[%swap3A_393] {strides = array<i32>} : memref<512xi32, #tpu.memory_space<vmem>>, vector<16xi32>,
    %swap3A_395 = vector.shape_cast %swap3A_394 : vector<16xi32> to vector<16xi32>
    %swap3A_396 = vector.shape_cast %select_n3A_392 : vector<16xi32> to vector<16xi32>
    tpu.vector_store %arg6[%swap3A_393], %swap3A_396 {strides = array<i32>} : memref<512xi32, #tpu.memory_space<vmem>>, vector<16xi32>,
    %get3A_397 = arith.constant 400 : index
    %get3A_398 = tpu.vector_load %arg7[%get3A_397] {strides = array<i32>} : memref<512xi32, #tpu.memory_space<vmem>>, vector<16xi32>,
    %get3A_399 = vector.shape_cast %get3A_398 : vector<16xi32> to vector<16xi32>
    %ne3A_400 = arith.constant 0 : i32
    %ne3A_401 = vector.broadcast %ne3A_400 : i32 to vector<16xi32>
    %ne3A_402 = arith.cmpi ne, %get3A_399, %ne3A_401 : vector<16xi32>
    %get3A_403 = arith.constant 400 : index
    %get3A_404 = tpu.vector_load %arg6[%get3A_403] {strides = array<i32>} : memref<512xi32, #tpu.memory_space<vmem>>, vector<16xi32>,
    %get3A_405 = vector.shape_cast %get3A_404 : vector<16xi32> to vector<16xi32>
    %jit3A_406 = arith.constant 1000000 : i32
    %broadcast_in_dim3A_407 = vector.broadcast %jit3A_406 : i32 to vector<16xi32>
    %select_n3A_408 = arith.select %ne3A_402, %broadcast_in_dim3A_407, %get3A_405 : vector<16xi1>, vector<16xi32>
    %swap3A_409 = arith.constant 400 : index
    %swap3A_410 = tpu.vector_load %arg6[%swap3A_409] {strides = array<i32>} : memref<512xi32, #tpu.memory_space<vmem>>, vector<16xi32>,
    %swap3A_411 = vector.shape_cast %swap3A_410 : vector<16xi32> to vector<16xi32>
    %swap3A_412 = vector.shape_cast %select_n3A_408 : vector<16xi32> to vector<16xi32>
    tpu.vector_store %arg6[%swap3A_409], %swap3A_412 {strides = array<i32>} : memref<512xi32, #tpu.memory_space<vmem>>, vector<16xi32>,
    %get3A_413 = arith.constant 416 : index
    %get3A_414 = tpu.vector_load %arg7[%get3A_413] {strides = array<i32>} : memref<512xi32, #tpu.memory_space<vmem>>, vector<16xi32>,
    %get3A_415 = vector.shape_cast %get3A_414 : vector<16xi32> to vector<16xi32>
    %ne3A_416 = arith.constant 0 : i32
    %ne3A_417 = vector.broadcast %ne3A_416 : i32 to vector<16xi32>
    %ne3A_418 = arith.cmpi ne, %get3A_415, %ne3A_417 : vector<16xi32>
    %get3A_419 = arith.constant 416 : index
    %get3A_420 = tpu.vector_load %arg6[%get3A_419] {strides = array<i32>} : memref<512xi32, #tpu.memory_space<vmem>>, vector<16xi32>,
    %get3A_421 = vector.shape_cast %get3A_420 : vector<16xi32> to vector<16xi32>
    %jit3A_422 = arith.constant 1000000 : i32
    %broadcast_in_dim3A_423 = vector.broadcast %jit3A_422 : i32 to vector<16xi32>
    %select_n3A_424 = arith.select %ne3A_418, %broadcast_in_dim3A_423, %get3A_421 : vector<16xi1>, vector<16xi32>
    %swap3A_425 = arith.constant 416 : index
    %swap3A_426 = tpu.vector_load %arg6[%swap3A_425] {strides = array<i32>} : memref<512xi32, #tpu.memory_space<vmem>>, vector<16xi32>,
    %swap3A_427 = vector.shape_cast %swap3A_426 : vector<16xi32> to vector<16xi32>
    %swap3A_428 = vector.shape_cast %select_n3A_424 : vector<16xi32> to vector<16xi32>
    tpu.vector_store %arg6[%swap3A_425], %swap3A_428 {strides = array<i32>} : memref<512xi32, #tpu.memory_space<vmem>>, vector<16xi32>,
    %get3A_429 = arith.constant 432 : index
    %get3A_430 = tpu.vector_load %arg7[%get3A_429] {strides = array<i32>} : memref<512xi32, #tpu.memory_space<vmem>>, vector<16xi32>,
    %get3A_431 = vector.shape_cast %get3A_430 : vector<16xi32> to vector<16xi32>
    %ne3A_432 = arith.constant 0 : i32
    %ne3A_433 = vector.broadcast %ne3A_432 : i32 to vector<16xi32>
    %ne3A_434 = arith.cmpi ne, %get3A_431, %ne3A_433 : vector<16xi32>
    %get3A_435 = arith.constant 432 : index
    %get3A_436 = tpu.vector_load %arg6[%get3A_435] {strides = array<i32>} : memref<512xi32, #tpu.memory_space<vmem>>, vector<16xi32>,
    %get3A_437 = vector.shape_cast %get3A_436 : vector<16xi32> to vector<16xi32>
    %jit3A_438 = arith.constant 1000000 : i32
    %broadcast_in_dim3A_439 = vector.broadcast %jit3A_438 : i32 to vector<16xi32>
    %select_n3A_440 = arith.select %ne3A_434, %broadcast_in_dim3A_439, %get3A_437 : vector<16xi1>, vector<16xi32>
    %swap3A_441 = arith.constant 432 : index
    %swap3A_442 = tpu.vector_load %arg6[%swap3A_441] {strides = array<i32>} : memref<512xi32, #tpu.memory_space<vmem>>, vector<16xi32>,
    %swap3A_443 = vector.shape_cast %swap3A_442 : vector<16xi32> to vector<16xi32>
    %swap3A_444 = vector.shape_cast %select_n3A_440 : vector<16xi32> to vector<16xi32>
    tpu.vector_store %arg6[%swap3A_441], %swap3A_444 {strides = array<i32>} : memref<512xi32, #tpu.memory_space<vmem>>, vector<16xi32>,
    %get3A_445 = arith.constant 448 : index
    %get3A_446 = tpu.vector_load %arg7[%get3A_445] {strides = array<i32>} : memref<512xi32, #tpu.memory_space<vmem>>, vector<16xi32>,
    %get3A_447 = vector.shape_cast %get3A_446 : vector<16xi32> to vector<16xi32>
    %ne3A_448 = arith.constant 0 : i32
    %ne3A_449 = vector.broadcast %ne3A_448 : i32 to vector<16xi32>
    %ne3A_450 = arith.cmpi ne, %get3A_447, %ne3A_449 : vector<16xi32>
    %get3A_451 = arith.constant 448 : index
    %get3A_452 = tpu.vector_load %arg6[%get3A_451] {strides = array<i32>} : memref<512xi32, #tpu.memory_space<vmem>>, vector<16xi32>,
    %get3A_453 = vector.shape_cast %get3A_452 : vector<16xi32> to vector<16xi32>
    %jit3A_454 = arith.constant 1000000 : i32
    %broadcast_in_dim3A_455 = vector.broadcast %jit3A_454 : i32 to vector<16xi32>
    %select_n3A_456 = arith.select %ne3A_450, %broadcast_in_dim3A_455, %get3A_453 : vector<16xi1>, vector<16xi32>
    %swap3A_457 = arith.constant 448 : index
    %swap3A_458 = tpu.vector_load %arg6[%swap3A_457] {strides = array<i32>} : memref<512xi32, #tpu.memory_space<vmem>>, vector<16xi32>,
    %swap3A_459 = vector.shape_cast %swap3A_458 : vector<16xi32> to vector<16xi32>
    %swap3A_460 = vector.shape_cast %select_n3A_456 : vector<16xi32> to vector<16xi32>
    tpu.vector_store %arg6[%swap3A_457], %swap3A_460 {strides = array<i32>} : memref<512xi32, #tpu.memory_space<vmem>>, vector<16xi32>,
    %get3A_461 = arith.constant 464 : index
    %get3A_462 = tpu.vector_load %arg7[%get3A_461] {strides = array<i32>} : memref<512xi32, #tpu.memory_space<vmem>>, vector<16xi32>,
    %get3A_463 = vector.shape_cast %get3A_462 : vector<16xi32> to vector<16xi32>
    %ne3A_464 = arith.constant 0 : i32
    %ne3A_465 = vector.broadcast %ne3A_464 : i32 to vector<16xi32>
    %ne3A_466 = arith.cmpi ne, %get3A_463, %ne3A_465 : vector<16xi32>
    %get3A_467 = arith.constant 464 : index
    %get3A_468 = tpu.vector_load %arg6[%get3A_467] {strides = array<i32>} : memref<512xi32, #tpu.memory_space<vmem>>, vector<16xi32>,
    %get3A_469 = vector.shape_cast %get3A_468 : vector<16xi32> to vector<16xi32>
    %jit3A_470 = arith.constant 1000000 : i32
    %broadcast_in_dim3A_471 = vector.broadcast %jit3A_470 : i32 to vector<16xi32>
    %select_n3A_472 = arith.select %ne3A_466, %broadcast_in_dim3A_471, %get3A_469 : vector<16xi1>, vector<16xi32>
    %swap3A_473 = arith.constant 464 : index
    %swap3A_474 = tpu.vector_load %arg6[%swap3A_473] {strides = array<i32>} : memref<512xi32, #tpu.memory_space<vmem>>, vector<16xi32>,
    %swap3A_475 = vector.shape_cast %swap3A_474 : vector<16xi32> to vector<16xi32>
    %swap3A_476 = vector.shape_cast %select_n3A_472 : vector<16xi32> to vector<16xi32>
    tpu.vector_store %arg6[%swap3A_473], %swap3A_476 {strides = array<i32>} : memref<512xi32, #tpu.memory_space<vmem>>, vector<16xi32>,
    %get3A_477 = arith.constant 480 : index
    %get3A_478 = tpu.vector_load %arg7[%get3A_477] {strides = array<i32>} : memref<512xi32, #tpu.memory_space<vmem>>, vector<16xi32>,
    %get3A_479 = vector.shape_cast %get3A_478 : vector<16xi32> to vector<16xi32>
    %ne3A_480 = arith.constant 0 : i32
    %ne3A_481 = vector.broadcast %ne3A_480 : i32 to vector<16xi32>
    %ne3A_482 = arith.cmpi ne, %get3A_479, %ne3A_481 : vector<16xi32>
    %get3A_483 = arith.constant 480 : index
    %get3A_484 = tpu.vector_load %arg6[%get3A_483] {strides = array<i32>} : memref<512xi32, #tpu.memory_space<vmem>>, vector<16xi32>,
    %get3A_485 = vector.shape_cast %get3A_484 : vector<16xi32> to vector<16xi32>
    %jit3A_486 = arith.constant 1000000 : i32
    %broadcast_in_dim3A_487 = vector.broadcast %jit3A_486 : i32 to vector<16xi32>
    %select_n3A_488 = arith.select %ne3A_482, %broadcast_in_dim3A_487, %get3A_485 : vector<16xi1>, vector<16xi32>
    %swap3A_489 = arith.constant 480 : index
    %swap3A_490 = tpu.vector_load %arg6[%swap3A_489] {strides = array<i32>} : memref<512xi32, #tpu.memory_space<vmem>>, vector<16xi32>,
    %swap3A_491 = vector.shape_cast %swap3A_490 : vector<16xi32> to vector<16xi32>
    %swap3A_492 = vector.shape_cast %select_n3A_488 : vector<16xi32> to vector<16xi32>
    tpu.vector_store %arg6[%swap3A_489], %swap3A_492 {strides = array<i32>} : memref<512xi32, #tpu.memory_space<vmem>>, vector<16xi32>,
    %get3A_493 = arith.constant 496 : index
    %get3A_494 = tpu.vector_load %arg7[%get3A_493] {strides = array<i32>} : memref<512xi32, #tpu.memory_space<vmem>>, vector<16xi32>,
    %get3A_495 = vector.shape_cast %get3A_494 : vector<16xi32> to vector<16xi32>
    %ne3A_496 = arith.constant 0 : i32
    %ne3A_497 = vector.broadcast %ne3A_496 : i32 to vector<16xi32>
    %ne3A_498 = arith.cmpi ne, %get3A_495, %ne3A_497 : vector<16xi32>
    %get3A_499 = arith.constant 496 : index
    %get3A_500 = tpu.vector_load %arg6[%get3A_499] {strides = array<i32>} : memref<512xi32, #tpu.memory_space<vmem>>, vector<16xi32>,
    %get3A_501 = vector.shape_cast %get3A_500 : vector<16xi32> to vector<16xi32>
    %jit3A_502 = arith.constant 1000000 : i32
    %broadcast_in_dim3A_503 = vector.broadcast %jit3A_502 : i32 to vector<16xi32>
    %select_n3A_504 = arith.select %ne3A_498, %broadcast_in_dim3A_503, %get3A_501 : vector<16xi1>, vector<16xi32>
    %swap3A_505 = arith.constant 496 : index
    %swap3A_506 = tpu.vector_load %arg6[%swap3A_505] {strides = array<i32>} : memref<512xi32, #tpu.memory_space<vmem>>, vector<16xi32>,
    %swap3A_507 = vector.shape_cast %swap3A_506 : vector<16xi32> to vector<16xi32>
    %swap3A_508 = vector.shape_cast %select_n3A_504 : vector<16xi32> to vector<16xi32>
    tpu.vector_store %arg6[%swap3A_505], %swap3A_508 {strides = array<i32>} : memref<512xi32, #tpu.memory_space<vmem>>, vector<16xi32>,
    %scan3A = arith.constant 0 : i32
    %scan3A_509 = arith.constant 0 : i32
    %scan3A_510 = arith.constant 32 : i32
    %scan3A_511 = arith.addi %scan3A_509, %scan3A_510 : i32
    %scan3A_512 = arith.constant 1 : i32
    scf.for %scan3A_569 = %scan3A_509 to %scan3A_511 step %scan3A_512  : i32 {
      %mul3A_570 = arith.constant 16 : i32
      %mul3A_571 = arith.muli %scan3A_569, %mul3A_570 : i32
      %get3A_572 = arith.index_cast %mul3A_571 : i32 to index
      %get3A_573 = tpu.vector_load %arg6[%get3A_572] {strides = array<i32>} : memref<512xi32, #tpu.memory_space<vmem>>, vector<16xi32>,
      %get3A_574 = vector.shape_cast %get3A_573 : vector<16xi32> to vector<16xi32>
      %slice3A = vector.extract_strided_slice %get3A_574 {offsets = [0], sizes = [1], strides = [1]} : vector<16xi32> to vector<1xi32>
      %squeeze3A = vector.extract %slice3A[0] : i32 from vector<1xi32>
      %mul3A_575 = arith.constant 16 : i32
      %mul3A_576 = arith.muli %scan3A_569, %mul3A_575 : i32
      %add3A_577 = arith.addi %mul3A_2, %mul3A_576 : i32
      %add3A_578 = arith.constant 0 : i32
      %add3A_579 = arith.addi %add3A_577, %add3A_578 : i32
      %dma_start3A = arith.constant 0 : i32
      %dma_start3A_580 = tpu.memref_slice %arg5[%add3A_579, %dma_start3A] : memref<16384x64xf32, #tpu.memory_space<hbm>> -> memref<1x64xf32, #tpu.memory_space<hbm>>
      %dma_start3A_581 = tpu.memref_squeeze %dma_start3A_580 : memref<1x64xf32, #tpu.memory_space<hbm>> -> memref<64xf32, #tpu.memory_space<hbm>>
      %dma_start3A_582 = arith.constant 0 : i32
      %dma_start3A_583 = tpu.memref_slice %arg2[%squeeze3A, %dma_start3A_582] : memref<1000001x64xf32, #tpu.memory_space<hbm>> -> memref<1x64xf32, #tpu.memory_space<hbm>>
      %dma_start3A_584 = tpu.memref_squeeze %dma_start3A_583 : memref<1x64xf32, #tpu.memory_space<hbm>> -> memref<64xf32, #tpu.memory_space<hbm>>
      tpu.enqueue_dma source(%dma_start3A_584 : memref<64xf32, #tpu.memory_space<hbm>>) target(%dma_start3A_581 : memref<64xf32, #tpu.memory_space<hbm>>) target_semaphore(%arg8 : memref<!tpu.dma_semaphore, #tpu.memory_space<semaphore_mem>>)
      %slice3A_585 = vector.extract_strided_slice %get3A_574 {offsets = [1], sizes = [1], strides = [1]} : vector<16xi32> to vector<1xi32>
      %squeeze3A_586 = vector.extract %slice3A_585[0] : i32 from vector<1xi32>
      %mul3A_587 = arith.constant 16 : i32
      %mul3A_588 = arith.muli %scan3A_569, %mul3A_587 : i32
      %add3A_589 = arith.addi %mul3A_2, %mul3A_588 : i32
      %add3A_590 = arith.constant 1 : i32
      %add3A_591 = arith.addi %add3A_589, %add3A_590 : i32
      %dma_start3A_592 = arith.constant 0 : i32
      %dma_start3A_593 = tpu.memref_slice %arg5[%add3A_591, %dma_start3A_592] : memref<16384x64xf32, #tpu.memory_space<hbm>> -> memref<1x64xf32, #tpu.memory_space<hbm>>
      %dma_start3A_594 = tpu.memref_squeeze %dma_start3A_593 : memref<1x64xf32, #tpu.memory_space<hbm>> -> memref<64xf32, #tpu.memory_space<hbm>>
      %dma_start3A_595 = arith.constant 0 : i32
      %dma_start3A_596 = tpu.memref_slice %arg2[%squeeze3A_586, %dma_start3A_595] : memref<1000001x64xf32, #tpu.memory_space<hbm>> -> memref<1x64xf32, #tpu.memory_space<hbm>>
      %dma_start3A_597 = tpu.memref_squeeze %dma_start3A_596 : memref<1x64xf32, #tpu.memory_space<hbm>> -> memref<64xf32, #tpu.memory_space<hbm>>
      tpu.enqueue_dma source(%dma_start3A_597 : memref<64xf32, #tpu.memory_space<hbm>>) target(%dma_start3A_594 : memref<64xf32, #tpu.memory_space<hbm>>) target_semaphore(%arg9 : memref<!tpu.dma_semaphore, #tpu.memory_space<semaphore_mem>>)
      %slice3A_598 = vector.extract_strided_slice %get3A_574 {offsets = [2], sizes = [1], strides = [1]} : vector<16xi32> to vector<1xi32>
      %squeeze3A_599 = vector.extract %slice3A_598[0] : i32 from vector<1xi32>
      %mul3A_600 = arith.constant 16 : i32
      %mul3A_601 = arith.muli %scan3A_569, %mul3A_600 : i32
      %add3A_602 = arith.addi %mul3A_2, %mul3A_601 : i32
      %add3A_603 = arith.constant 2 : i32
      %add3A_604 = arith.addi %add3A_602, %add3A_603 : i32
      %dma_start3A_605 = arith.constant 0 : i32
      %dma_start3A_606 = tpu.memref_slice %arg5[%add3A_604, %dma_start3A_605] : memref<16384x64xf32, #tpu.memory_space<hbm>> -> memref<1x64xf32, #tpu.memory_space<hbm>>
      %dma_start3A_607 = tpu.memref_squeeze %dma_start3A_606 : memref<1x64xf32, #tpu.memory_space<hbm>> -> memref<64xf32, #tpu.memory_space<hbm>>
      %dma_start3A_608 = arith.constant 0 : i32
      %dma_start3A_609 = tpu.memref_slice %arg2[%squeeze3A_599, %dma_start3A_608] : memref<1000001x64xf32, #tpu.memory_space<hbm>> -> memref<1x64xf32, #tpu.memory_space<hbm>>
      %dma_start3A_610 = tpu.memref_squeeze %dma_start3A_609 : memref<1x64xf32, #tpu.memory_space<hbm>> -> memref<64xf32, #tpu.memory_space<hbm>>
      tpu.enqueue_dma source(%dma_start3A_610 : memref<64xf32, #tpu.memory_space<hbm>>) target(%dma_start3A_607 : memref<64xf32, #tpu.memory_space<hbm>>) target_semaphore(%arg10 : memref<!tpu.dma_semaphore, #tpu.memory_space<semaphore_mem>>)
      %slice3A_611 = vector.extract_strided_slice %get3A_574 {offsets = [3], sizes = [1], strides = [1]} : vector<16xi32> to vector<1xi32>
      %squeeze3A_612 = vector.extract %slice3A_611[0] : i32 from vector<1xi32>
      %mul3A_613 = arith.constant 16 : i32
      %mul3A_614 = arith.muli %scan3A_569, %mul3A_613 : i32
      %add3A_615 = arith.addi %mul3A_2, %mul3A_614 : i32
      %add3A_616 = arith.constant 3 : i32
      %add3A_617 = arith.addi %add3A_615, %add3A_616 : i32
      %dma_start3A_618 = arith.constant 0 : i32
      %dma_start3A_619 = tpu.memref_slice %arg5[%add3A_617, %dma_start3A_618] : memref<16384x64xf32, #tpu.memory_space<hbm>> -> memref<1x64xf32, #tpu.memory_space<hbm>>
      %dma_start3A_620 = tpu.memref_squeeze %dma_start3A_619 : memref<1x64xf32, #tpu.memory_space<hbm>> -> memref<64xf32, #tpu.memory_space<hbm>>
      %dma_start3A_621 = arith.constant 0 : i32
      %dma_start3A_622 = tpu.memref_slice %arg2[%squeeze3A_612, %dma_start3A_621] : memref<1000001x64xf32, #tpu.memory_space<hbm>> -> memref<1x64xf32, #tpu.memory_space<hbm>>
      %dma_start3A_623 = tpu.memref_squeeze %dma_start3A_622 : memref<1x64xf32, #tpu.memory_space<hbm>> -> memref<64xf32, #tpu.memory_space<hbm>>
      tpu.enqueue_dma source(%dma_start3A_623 : memref<64xf32, #tpu.memory_space<hbm>>) target(%dma_start3A_620 : memref<64xf32, #tpu.memory_space<hbm>>) target_semaphore(%arg11 : memref<!tpu.dma_semaphore, #tpu.memory_space<semaphore_mem>>)
      %slice3A_624 = vector.extract_strided_slice %get3A_574 {offsets = [4], sizes = [1], strides = [1]} : vector<16xi32> to vector<1xi32>
      %squeeze3A_625 = vector.extract %slice3A_624[0] : i32 from vector<1xi32>
      %mul3A_626 = arith.constant 16 : i32
      %mul3A_627 = arith.muli %scan3A_569, %mul3A_626 : i32
      %add3A_628 = arith.addi %mul3A_2, %mul3A_627 : i32
      %add3A_629 = arith.constant 4 : i32
      %add3A_630 = arith.addi %add3A_628, %add3A_629 : i32
      %dma_start3A_631 = arith.constant 0 : i32
      %dma_start3A_632 = tpu.memref_slice %arg5[%add3A_630, %dma_start3A_631] : memref<16384x64xf32, #tpu.memory_space<hbm>> -> memref<1x64xf32, #tpu.memory_space<hbm>>
      %dma_start3A_633 = tpu.memref_squeeze %dma_start3A_632 : memref<1x64xf32, #tpu.memory_space<hbm>> -> memref<64xf32, #tpu.memory_space<hbm>>
      %dma_start3A_634 = arith.constant 0 : i32
      %dma_start3A_635 = tpu.memref_slice %arg2[%squeeze3A_625, %dma_start3A_634] : memref<1000001x64xf32, #tpu.memory_space<hbm>> -> memref<1x64xf32, #tpu.memory_space<hbm>>
      %dma_start3A_636 = tpu.memref_squeeze %dma_start3A_635 : memref<1x64xf32, #tpu.memory_space<hbm>> -> memref<64xf32, #tpu.memory_space<hbm>>
      tpu.enqueue_dma source(%dma_start3A_636 : memref<64xf32, #tpu.memory_space<hbm>>) target(%dma_start3A_633 : memref<64xf32, #tpu.memory_space<hbm>>) target_semaphore(%arg12 : memref<!tpu.dma_semaphore, #tpu.memory_space<semaphore_mem>>)
      %slice3A_637 = vector.extract_strided_slice %get3A_574 {offsets = [5], sizes = [1], strides = [1]} : vector<16xi32> to vector<1xi32>
      %squeeze3A_638 = vector.extract %slice3A_637[0] : i32 from vector<1xi32>
      %mul3A_639 = arith.constant 16 : i32
      %mul3A_640 = arith.muli %scan3A_569, %mul3A_639 : i32
      %add3A_641 = arith.addi %mul3A_2, %mul3A_640 : i32
      %add3A_642 = arith.constant 5 : i32
      %add3A_643 = arith.addi %add3A_641, %add3A_642 : i32
      %dma_start3A_644 = arith.constant 0 : i32
      %dma_start3A_645 = tpu.memref_slice %arg5[%add3A_643, %dma_start3A_644] : memref<16384x64xf32, #tpu.memory_space<hbm>> -> memref<1x64xf32, #tpu.memory_space<hbm>>
      %dma_start3A_646 = tpu.memref_squeeze %dma_start3A_645 : memref<1x64xf32, #tpu.memory_space<hbm>> -> memref<64xf32, #tpu.memory_space<hbm>>
      %dma_start3A_647 = arith.constant 0 : i32
      %dma_start3A_648 = tpu.memref_slice %arg2[%squeeze3A_638, %dma_start3A_647] : memref<1000001x64xf32, #tpu.memory_space<hbm>> -> memref<1x64xf32, #tpu.memory_space<hbm>>
      %dma_start3A_649 = tpu.memref_squeeze %dma_start3A_648 : memref<1x64xf32, #tpu.memory_space<hbm>> -> memref<64xf32, #tpu.memory_space<hbm>>
      tpu.enqueue_dma source(%dma_start3A_649 : memref<64xf32, #tpu.memory_space<hbm>>) target(%dma_start3A_646 : memref<64xf32, #tpu.memory_space<hbm>>) target_semaphore(%arg13 : memref<!tpu.dma_semaphore, #tpu.memory_space<semaphore_mem>>)
      %slice3A_650 = vector.extract_strided_slice %get3A_574 {offsets = [6], sizes = [1], strides = [1]} : vector<16xi32> to vector<1xi32>
      %squeeze3A_651 = vector.extract %slice3A_650[0] : i32 from vector<1xi32>
      %mul3A_652 = arith.constant 16 : i32
      %mul3A_653 = arith.muli %scan3A_569, %mul3A_652 : i32
      %add3A_654 = arith.addi %mul3A_2, %mul3A_653 : i32
      %add3A_655 = arith.constant 6 : i32
      %add3A_656 = arith.addi %add3A_654, %add3A_655 : i32
      %dma_start3A_657 = arith.constant 0 : i32
      %dma_start3A_658 = tpu.memref_slice %arg5[%add3A_656, %dma_start3A_657] : memref<16384x64xf32, #tpu.memory_space<hbm>> -> memref<1x64xf32, #tpu.memory_space<hbm>>
      %dma_start3A_659 = tpu.memref_squeeze %dma_start3A_658 : memref<1x64xf32, #tpu.memory_space<hbm>> -> memref<64xf32, #tpu.memory_space<hbm>>
      %dma_start3A_660 = arith.constant 0 : i32
      %dma_start3A_661 = tpu.memref_slice %arg2[%squeeze3A_651, %dma_start3A_660] : memref<1000001x64xf32, #tpu.memory_space<hbm>> -> memref<1x64xf32, #tpu.memory_space<hbm>>
      %dma_start3A_662 = tpu.memref_squeeze %dma_start3A_661 : memref<1x64xf32, #tpu.memory_space<hbm>> -> memref<64xf32, #tpu.memory_space<hbm>>
      tpu.enqueue_dma source(%dma_start3A_662 : memref<64xf32, #tpu.memory_space<hbm>>) target(%dma_start3A_659 : memref<64xf32, #tpu.memory_space<hbm>>) target_semaphore(%arg14 : memref<!tpu.dma_semaphore, #tpu.memory_space<semaphore_mem>>)
      %slice3A_663 = vector.extract_strided_slice %get3A_574 {offsets = [7], sizes = [1], strides = [1]} : vector<16xi32> to vector<1xi32>
      %squeeze3A_664 = vector.extract %slice3A_663[0] : i32 from vector<1xi32>
      %mul3A_665 = arith.constant 16 : i32
      %mul3A_666 = arith.muli %scan3A_569, %mul3A_665 : i32
      %add3A_667 = arith.addi %mul3A_2, %mul3A_666 : i32
      %add3A_668 = arith.constant 7 : i32
      %add3A_669 = arith.addi %add3A_667, %add3A_668 : i32
      %dma_start3A_670 = arith.constant 0 : i32
      %dma_start3A_671 = tpu.memref_slice %arg5[%add3A_669, %dma_start3A_670] : memref<16384x64xf32, #tpu.memory_space<hbm>> -> memref<1x64xf32, #tpu.memory_space<hbm>>
      %dma_start3A_672 = tpu.memref_squeeze %dma_start3A_671 : memref<1x64xf32, #tpu.memory_space<hbm>> -> memref<64xf32, #tpu.memory_space<hbm>>
      %dma_start3A_673 = arith.constant 0 : i32
      %dma_start3A_674 = tpu.memref_slice %arg2[%squeeze3A_664, %dma_start3A_673] : memref<1000001x64xf32, #tpu.memory_space<hbm>> -> memref<1x64xf32, #tpu.memory_space<hbm>>
      %dma_start3A_675 = tpu.memref_squeeze %dma_start3A_674 : memref<1x64xf32, #tpu.memory_space<hbm>> -> memref<64xf32, #tpu.memory_space<hbm>>
      tpu.enqueue_dma source(%dma_start3A_675 : memref<64xf32, #tpu.memory_space<hbm>>) target(%dma_start3A_672 : memref<64xf32, #tpu.memory_space<hbm>>) target_semaphore(%arg15 : memref<!tpu.dma_semaphore, #tpu.memory_space<semaphore_mem>>)
      %slice3A_676 = vector.extract_strided_slice %get3A_574 {offsets = [8], sizes = [1], strides = [1]} : vector<16xi32> to vector<1xi32>
      %squeeze3A_677 = vector.extract %slice3A_676[0] : i32 from vector<1xi32>
      %mul3A_678 = arith.constant 16 : i32
      %mul3A_679 = arith.muli %scan3A_569, %mul3A_678 : i32
      %add3A_680 = arith.addi %mul3A_2, %mul3A_679 : i32
      %add3A_681 = arith.constant 8 : i32
      %add3A_682 = arith.addi %add3A_680, %add3A_681 : i32
      %dma_start3A_683 = arith.constant 0 : i32
      %dma_start3A_684 = tpu.memref_slice %arg5[%add3A_682, %dma_start3A_683] : memref<16384x64xf32, #tpu.memory_space<hbm>> -> memref<1x64xf32, #tpu.memory_space<hbm>>
      %dma_start3A_685 = tpu.memref_squeeze %dma_start3A_684 : memref<1x64xf32, #tpu.memory_space<hbm>> -> memref<64xf32, #tpu.memory_space<hbm>>
      %dma_start3A_686 = arith.constant 0 : i32
      %dma_start3A_687 = tpu.memref_slice %arg2[%squeeze3A_677, %dma_start3A_686] : memref<1000001x64xf32, #tpu.memory_space<hbm>> -> memref<1x64xf32, #tpu.memory_space<hbm>>
      %dma_start3A_688 = tpu.memref_squeeze %dma_start3A_687 : memref<1x64xf32, #tpu.memory_space<hbm>> -> memref<64xf32, #tpu.memory_space<hbm>>
      tpu.enqueue_dma source(%dma_start3A_688 : memref<64xf32, #tpu.memory_space<hbm>>) target(%dma_start3A_685 : memref<64xf32, #tpu.memory_space<hbm>>) target_semaphore(%arg8 : memref<!tpu.dma_semaphore, #tpu.memory_space<semaphore_mem>>)
      %slice3A_689 = vector.extract_strided_slice %get3A_574 {offsets = [9], sizes = [1], strides = [1]} : vector<16xi32> to vector<1xi32>
      %squeeze3A_690 = vector.extract %slice3A_689[0] : i32 from vector<1xi32>
      %mul3A_691 = arith.constant 16 : i32
      %mul3A_692 = arith.muli %scan3A_569, %mul3A_691 : i32
      %add3A_693 = arith.addi %mul3A_2, %mul3A_692 : i32
      %add3A_694 = arith.constant 9 : i32
      %add3A_695 = arith.addi %add3A_693, %add3A_694 : i32
      %dma_start3A_696 = arith.constant 0 : i32
      %dma_start3A_697 = tpu.memref_slice %arg5[%add3A_695, %dma_start3A_696] : memref<16384x64xf32, #tpu.memory_space<hbm>> -> memref<1x64xf32, #tpu.memory_space<hbm>>
      %dma_start3A_698 = tpu.memref_squeeze %dma_start3A_697 : memref<1x64xf32, #tpu.memory_space<hbm>> -> memref<64xf32, #tpu.memory_space<hbm>>
      %dma_start3A_699 = arith.constant 0 : i32
      %dma_start3A_700 = tpu.memref_slice %arg2[%squeeze3A_690, %dma_start3A_699] : memref<1000001x64xf32, #tpu.memory_space<hbm>> -> memref<1x64xf32, #tpu.memory_space<hbm>>
      %dma_start3A_701 = tpu.memref_squeeze %dma_start3A_700 : memref<1x64xf32, #tpu.memory_space<hbm>> -> memref<64xf32, #tpu.memory_space<hbm>>
      tpu.enqueue_dma source(%dma_start3A_701 : memref<64xf32, #tpu.memory_space<hbm>>) target(%dma_start3A_698 : memref<64xf32, #tpu.memory_space<hbm>>) target_semaphore(%arg9 : memref<!tpu.dma_semaphore, #tpu.memory_space<semaphore_mem>>)
      %slice3A_702 = vector.extract_strided_slice %get3A_574 {offsets = [10], sizes = [1], strides = [1]} : vector<16xi32> to vector<1xi32>
      %squeeze3A_703 = vector.extract %slice3A_702[0] : i32 from vector<1xi32>
      %mul3A_704 = arith.constant 16 : i32
      %mul3A_705 = arith.muli %scan3A_569, %mul3A_704 : i32
      %add3A_706 = arith.addi %mul3A_2, %mul3A_705 : i32
      %add3A_707 = arith.constant 10 : i32
      %add3A_708 = arith.addi %add3A_706, %add3A_707 : i32
      %dma_start3A_709 = arith.constant 0 : i32
      %dma_start3A_710 = tpu.memref_slice %arg5[%add3A_708, %dma_start3A_709] : memref<16384x64xf32, #tpu.memory_space<hbm>> -> memref<1x64xf32, #tpu.memory_space<hbm>>
      %dma_start3A_711 = tpu.memref_squeeze %dma_start3A_710 : memref<1x64xf32, #tpu.memory_space<hbm>> -> memref<64xf32, #tpu.memory_space<hbm>>
      %dma_start3A_712 = arith.constant 0 : i32
      %dma_start3A_713 = tpu.memref_slice %arg2[%squeeze3A_703, %dma_start3A_712] : memref<1000001x64xf32, #tpu.memory_space<hbm>> -> memref<1x64xf32, #tpu.memory_space<hbm>>
      %dma_start3A_714 = tpu.memref_squeeze %dma_start3A_713 : memref<1x64xf32, #tpu.memory_space<hbm>> -> memref<64xf32, #tpu.memory_space<hbm>>
      tpu.enqueue_dma source(%dma_start3A_714 : memref<64xf32, #tpu.memory_space<hbm>>) target(%dma_start3A_711 : memref<64xf32, #tpu.memory_space<hbm>>) target_semaphore(%arg10 : memref<!tpu.dma_semaphore, #tpu.memory_space<semaphore_mem>>)
      %slice3A_715 = vector.extract_strided_slice %get3A_574 {offsets = [11], sizes = [1], strides = [1]} : vector<16xi32> to vector<1xi32>
      %squeeze3A_716 = vector.extract %slice3A_715[0] : i32 from vector<1xi32>
      %mul3A_717 = arith.constant 16 : i32
      %mul3A_718 = arith.muli %scan3A_569, %mul3A_717 : i32
      %add3A_719 = arith.addi %mul3A_2, %mul3A_718 : i32
      %add3A_720 = arith.constant 11 : i32
      %add3A_721 = arith.addi %add3A_719, %add3A_720 : i32
      %dma_start3A_722 = arith.constant 0 : i32
      %dma_start3A_723 = tpu.memref_slice %arg5[%add3A_721, %dma_start3A_722] : memref<16384x64xf32, #tpu.memory_space<hbm>> -> memref<1x64xf32, #tpu.memory_space<hbm>>
      %dma_start3A_724 = tpu.memref_squeeze %dma_start3A_723 : memref<1x64xf32, #tpu.memory_space<hbm>> -> memref<64xf32, #tpu.memory_space<hbm>>
      %dma_start3A_725 = arith.constant 0 : i32
      %dma_start3A_726 = tpu.memref_slice %arg2[%squeeze3A_716, %dma_start3A_725] : memref<1000001x64xf32, #tpu.memory_space<hbm>> -> memref<1x64xf32, #tpu.memory_space<hbm>>
      %dma_start3A_727 = tpu.memref_squeeze %dma_start3A_726 : memref<1x64xf32, #tpu.memory_space<hbm>> -> memref<64xf32, #tpu.memory_space<hbm>>
      tpu.enqueue_dma source(%dma_start3A_727 : memref<64xf32, #tpu.memory_space<hbm>>) target(%dma_start3A_724 : memref<64xf32, #tpu.memory_space<hbm>>) target_semaphore(%arg11 : memref<!tpu.dma_semaphore, #tpu.memory_space<semaphore_mem>>)
      %slice3A_728 = vector.extract_strided_slice %get3A_574 {offsets = [12], sizes = [1], strides = [1]} : vector<16xi32> to vector<1xi32>
      %squeeze3A_729 = vector.extract %slice3A_728[0] : i32 from vector<1xi32>
      %mul3A_730 = arith.constant 16 : i32
      %mul3A_731 = arith.muli %scan3A_569, %mul3A_730 : i32
      %add3A_732 = arith.addi %mul3A_2, %mul3A_731 : i32
      %add3A_733 = arith.constant 12 : i32
      %add3A_734 = arith.addi %add3A_732, %add3A_733 : i32
      %dma_start3A_735 = arith.constant 0 : i32
      %dma_start3A_736 = tpu.memref_slice %arg5[%add3A_734, %dma_start3A_735] : memref<16384x64xf32, #tpu.memory_space<hbm>> -> memref<1x64xf32, #tpu.memory_space<hbm>>
      %dma_start3A_737 = tpu.memref_squeeze %dma_start3A_736 : memref<1x64xf32, #tpu.memory_space<hbm>> -> memref<64xf32, #tpu.memory_space<hbm>>
      %dma_start3A_738 = arith.constant 0 : i32
      %dma_start3A_739 = tpu.memref_slice %arg2[%squeeze3A_729, %dma_start3A_738] : memref<1000001x64xf32, #tpu.memory_space<hbm>> -> memref<1x64xf32, #tpu.memory_space<hbm>>
      %dma_start3A_740 = tpu.memref_squeeze %dma_start3A_739 : memref<1x64xf32, #tpu.memory_space<hbm>> -> memref<64xf32, #tpu.memory_space<hbm>>
      tpu.enqueue_dma source(%dma_start3A_740 : memref<64xf32, #tpu.memory_space<hbm>>) target(%dma_start3A_737 : memref<64xf32, #tpu.memory_space<hbm>>) target_semaphore(%arg12 : memref<!tpu.dma_semaphore, #tpu.memory_space<semaphore_mem>>)
      %slice3A_741 = vector.extract_strided_slice %get3A_574 {offsets = [13], sizes = [1], strides = [1]} : vector<16xi32> to vector<1xi32>
      %squeeze3A_742 = vector.extract %slice3A_741[0] : i32 from vector<1xi32>
      %mul3A_743 = arith.constant 16 : i32
      %mul3A_744 = arith.muli %scan3A_569, %mul3A_743 : i32
      %add3A_745 = arith.addi %mul3A_2, %mul3A_744 : i32
      %add3A_746 = arith.constant 13 : i32
      %add3A_747 = arith.addi %add3A_745, %add3A_746 : i32
      %dma_start3A_748 = arith.constant 0 : i32
      %dma_start3A_749 = tpu.memref_slice %arg5[%add3A_747, %dma_start3A_748] : memref<16384x64xf32, #tpu.memory_space<hbm>> -> memref<1x64xf32, #tpu.memory_space<hbm>>
      %dma_start3A_750 = tpu.memref_squeeze %dma_start3A_749 : memref<1x64xf32, #tpu.memory_space<hbm>> -> memref<64xf32, #tpu.memory_space<hbm>>
      %dma_start3A_751 = arith.constant 0 : i32
      %dma_start3A_752 = tpu.memref_slice %arg2[%squeeze3A_742, %dma_start3A_751] : memref<1000001x64xf32, #tpu.memory_space<hbm>> -> memref<1x64xf32, #tpu.memory_space<hbm>>
      %dma_start3A_753 = tpu.memref_squeeze %dma_start3A_752 : memref<1x64xf32, #tpu.memory_space<hbm>> -> memref<64xf32, #tpu.memory_space<hbm>>
      tpu.enqueue_dma source(%dma_start3A_753 : memref<64xf32, #tpu.memory_space<hbm>>) target(%dma_start3A_750 : memref<64xf32, #tpu.memory_space<hbm>>) target_semaphore(%arg13 : memref<!tpu.dma_semaphore, #tpu.memory_space<semaphore_mem>>)
      %slice3A_754 = vector.extract_strided_slice %get3A_574 {offsets = [14], sizes = [1], strides = [1]} : vector<16xi32> to vector<1xi32>
      %squeeze3A_755 = vector.extract %slice3A_754[0] : i32 from vector<1xi32>
      %mul3A_756 = arith.constant 16 : i32
      %mul3A_757 = arith.muli %scan3A_569, %mul3A_756 : i32
      %add3A_758 = arith.addi %mul3A_2, %mul3A_757 : i32
      %add3A_759 = arith.constant 14 : i32
      %add3A_760 = arith.addi %add3A_758, %add3A_759 : i32
      %dma_start3A_761 = arith.constant 0 : i32
      %dma_start3A_762 = tpu.memref_slice %arg5[%add3A_760, %dma_start3A_761] : memref<16384x64xf32, #tpu.memory_space<hbm>> -> memref<1x64xf32, #tpu.memory_space<hbm>>
      %dma_start3A_763 = tpu.memref_squeeze %dma_start3A_762 : memref<1x64xf32, #tpu.memory_space<hbm>> -> memref<64xf32, #tpu.memory_space<hbm>>
      %dma_start3A_764 = arith.constant 0 : i32
      %dma_start3A_765 = tpu.memref_slice %arg2[%squeeze3A_755, %dma_start3A_764] : memref<1000001x64xf32, #tpu.memory_space<hbm>> -> memref<1x64xf32, #tpu.memory_space<hbm>>
      %dma_start3A_766 = tpu.memref_squeeze %dma_start3A_765 : memref<1x64xf32, #tpu.memory_space<hbm>> -> memref<64xf32, #tpu.memory_space<hbm>>
      tpu.enqueue_dma source(%dma_start3A_766 : memref<64xf32, #tpu.memory_space<hbm>>) target(%dma_start3A_763 : memref<64xf32, #tpu.memory_space<hbm>>) target_semaphore(%arg14 : memref<!tpu.dma_semaphore, #tpu.memory_space<semaphore_mem>>)
      %slice3A_767 = vector.extract_strided_slice %get3A_574 {offsets = [15], sizes = [1], strides = [1]} : vector<16xi32> to vector<1xi32>
      %squeeze3A_768 = vector.extract %slice3A_767[0] : i32 from vector<1xi32>
      %mul3A_769 = arith.constant 16 : i32
      %mul3A_770 = arith.muli %scan3A_569, %mul3A_769 : i32
      %add3A_771 = arith.addi %mul3A_2, %mul3A_770 : i32
      %add3A_772 = arith.constant 15 : i32
      %add3A_773 = arith.addi %add3A_771, %add3A_772 : i32
      %dma_start3A_774 = arith.constant 0 : i32
      %dma_start3A_775 = tpu.memref_slice %arg5[%add3A_773, %dma_start3A_774] : memref<16384x64xf32, #tpu.memory_space<hbm>> -> memref<1x64xf32, #tpu.memory_space<hbm>>
      %dma_start3A_776 = tpu.memref_squeeze %dma_start3A_775 : memref<1x64xf32, #tpu.memory_space<hbm>> -> memref<64xf32, #tpu.memory_space<hbm>>
      %dma_start3A_777 = arith.constant 0 : i32
      %dma_start3A_778 = tpu.memref_slice %arg2[%squeeze3A_768, %dma_start3A_777] : memref<1000001x64xf32, #tpu.memory_space<hbm>> -> memref<1x64xf32, #tpu.memory_space<hbm>>
      %dma_start3A_779 = tpu.memref_squeeze %dma_start3A_778 : memref<1x64xf32, #tpu.memory_space<hbm>> -> memref<64xf32, #tpu.memory_space<hbm>>
      tpu.enqueue_dma source(%dma_start3A_779 : memref<64xf32, #tpu.memory_space<hbm>>) target(%dma_start3A_776 : memref<64xf32, #tpu.memory_space<hbm>>) target_semaphore(%arg15 : memref<!tpu.dma_semaphore, #tpu.memory_space<semaphore_mem>>)
    }
    %scan3A_513 = arith.constant 32 : i32
    %add3A_514 = arith.constant 0 : i32
    %add3A_515 = arith.addi %mul3A_2, %add3A_514 : i32
    %dma_wait3A = arith.constant 0 : i32
    %dma_wait3A_516 = tpu.memref_slice %arg5[%add3A_515, %dma_wait3A] : memref<16384x64xf32, #tpu.memory_space<hbm>> -> memref<64x64xf32, #tpu.memory_space<hbm>>
    %dma_wait3A_517 = arith.constant 0 : i32
    %dma_wait3A_518 = arith.constant 0 : i32
    %dma_wait3A_519 = tpu.memref_slice %arg2[%dma_wait3A_517, %dma_wait3A_518] : memref<1000001x64xf32, #tpu.memory_space<hbm>> -> memref<64x64xf32, #tpu.memory_space<hbm>>
    tpu.wait_dma2 semaphore(%arg8 : memref<!tpu.dma_semaphore, #tpu.memory_space<semaphore_mem>>) src(%dma_wait3A_519 : memref<64x64xf32, #tpu.memory_space<hbm>>) dst(%dma_wait3A_516 : memref<64x64xf32, #tpu.memory_space<hbm>>)
    %add3A_520 = arith.constant 64 : i32
    %add3A_521 = arith.addi %mul3A_2, %add3A_520 : i32
    %dma_wait3A_522 = arith.constant 0 : i32
    %dma_wait3A_523 = tpu.memref_slice %arg5[%add3A_521, %dma_wait3A_522] : memref<16384x64xf32, #tpu.memory_space<hbm>> -> memref<64x64xf32, #tpu.memory_space<hbm>>
    %dma_wait3A_524 = arith.constant 0 : i32
    %dma_wait3A_525 = arith.constant 0 : i32
    %dma_wait3A_526 = tpu.memref_slice %arg2[%dma_wait3A_524, %dma_wait3A_525] : memref<1000001x64xf32, #tpu.memory_space<hbm>> -> memref<64x64xf32, #tpu.memory_space<hbm>>
    tpu.wait_dma2 semaphore(%arg9 : memref<!tpu.dma_semaphore, #tpu.memory_space<semaphore_mem>>) src(%dma_wait3A_526 : memref<64x64xf32, #tpu.memory_space<hbm>>) dst(%dma_wait3A_523 : memref<64x64xf32, #tpu.memory_space<hbm>>)
    %add3A_527 = arith.constant 128 : i32
    %add3A_528 = arith.addi %mul3A_2, %add3A_527 : i32
    %dma_wait3A_529 = arith.constant 0 : i32
    %dma_wait3A_530 = tpu.memref_slice %arg5[%add3A_528, %dma_wait3A_529] : memref<16384x64xf32, #tpu.memory_space<hbm>> -> memref<64x64xf32, #tpu.memory_space<hbm>>
    %dma_wait3A_531 = arith.constant 0 : i32
    %dma_wait3A_532 = arith.constant 0 : i32
    %dma_wait3A_533 = tpu.memref_slice %arg2[%dma_wait3A_531, %dma_wait3A_532] : memref<1000001x64xf32, #tpu.memory_space<hbm>> -> memref<64x64xf32, #tpu.memory_space<hbm>>
    tpu.wait_dma2 semaphore(%arg10 : memref<!tpu.dma_semaphore, #tpu.memory_space<semaphore_mem>>) src(%dma_wait3A_533 : memref<64x64xf32, #tpu.memory_space<hbm>>) dst(%dma_wait3A_530 : memref<64x64xf32, #tpu.memory_space<hbm>>)
    %add3A_534 = arith.constant 192 : i32
    %add3A_535 = arith.addi %mul3A_2, %add3A_534 : i32
    %dma_wait3A_536 = arith.constant 0 : i32
    %dma_wait3A_537 = tpu.memref_slice %arg5[%add3A_535, %dma_wait3A_536] : memref<16384x64xf32, #tpu.memory_space<hbm>> -> memref<64x64xf32, #tpu.memory_space<hbm>>
    %dma_wait3A_538 = arith.constant 0 : i32
    %dma_wait3A_539 = arith.constant 0 : i32
    %dma_wait3A_540 = tpu.memref_slice %arg2[%dma_wait3A_538, %dma_wait3A_539] : memref<1000001x64xf32, #tpu.memory_space<hbm>> -> memref<64x64xf32, #tpu.memory_space<hbm>>
    tpu.wait_dma2 semaphore(%arg11 : memref<!tpu.dma_semaphore, #tpu.memory_space<semaphore_mem>>) src(%dma_wait3A_540 : memref<64x64xf32, #tpu.memory_space<hbm>>) dst(%dma_wait3A_537 : memref<64x64xf32, #tpu.memory_space<hbm>>)
    %add3A_541 = arith.constant 256 : i32
    %add3A_542 = arith.addi %mul3A_2, %add3A_541 : i32
    %dma_wait3A_543 = arith.constant 0 : i32
    %dma_wait3A_544 = tpu.memref_slice %arg5[%add3A_542, %dma_wait3A_543] : memref<16384x64xf32, #tpu.memory_space<hbm>> -> memref<64x64xf32, #tpu.memory_space<hbm>>
    %dma_wait3A_545 = arith.constant 0 : i32
    %dma_wait3A_546 = arith.constant 0 : i32
    %dma_wait3A_547 = tpu.memref_slice %arg2[%dma_wait3A_545, %dma_wait3A_546] : memref<1000001x64xf32, #tpu.memory_space<hbm>> -> memref<64x64xf32, #tpu.memory_space<hbm>>
    tpu.wait_dma2 semaphore(%arg12 : memref<!tpu.dma_semaphore, #tpu.memory_space<semaphore_mem>>) src(%dma_wait3A_547 : memref<64x64xf32, #tpu.memory_space<hbm>>) dst(%dma_wait3A_544 : memref<64x64xf32, #tpu.memory_space<hbm>>)
    %add3A_548 = arith.constant 320 : i32
    %add3A_549 = arith.addi %mul3A_2, %add3A_548 : i32
    %dma_wait3A_550 = arith.constant 0 : i32
    %dma_wait3A_551 = tpu.memref_slice %arg5[%add3A_549, %dma_wait3A_550] : memref<16384x64xf32, #tpu.memory_space<hbm>> -> memref<64x64xf32, #tpu.memory_space<hbm>>
    %dma_wait3A_552 = arith.constant 0 : i32
    %dma_wait3A_553 = arith.constant 0 : i32
    %dma_wait3A_554 = tpu.memref_slice %arg2[%dma_wait3A_552, %dma_wait3A_553] : memref<1000001x64xf32, #tpu.memory_space<hbm>> -> memref<64x64xf32, #tpu.memory_space<hbm>>
    tpu.wait_dma2 semaphore(%arg13 : memref<!tpu.dma_semaphore, #tpu.memory_space<semaphore_mem>>) src(%dma_wait3A_554 : memref<64x64xf32, #tpu.memory_space<hbm>>) dst(%dma_wait3A_551 : memref<64x64xf32, #tpu.memory_space<hbm>>)
    %add3A_555 = arith.constant 384 : i32
    %add3A_556 = arith.addi %mul3A_2, %add3A_555 : i32
    %dma_wait3A_557 = arith.constant 0 : i32
    %dma_wait3A_558 = tpu.memref_slice %arg5[%add3A_556, %dma_wait3A_557] : memref<16384x64xf32, #tpu.memory_space<hbm>> -> memref<64x64xf32, #tpu.memory_space<hbm>>
    %dma_wait3A_559 = arith.constant 0 : i32
    %dma_wait3A_560 = arith.constant 0 : i32
    %dma_wait3A_561 = tpu.memref_slice %arg2[%dma_wait3A_559, %dma_wait3A_560] : memref<1000001x64xf32, #tpu.memory_space<hbm>> -> memref<64x64xf32, #tpu.memory_space<hbm>>
    tpu.wait_dma2 semaphore(%arg14 : memref<!tpu.dma_semaphore, #tpu.memory_space<semaphore_mem>>) src(%dma_wait3A_561 : memref<64x64xf32, #tpu.memory_space<hbm>>) dst(%dma_wait3A_558 : memref<64x64xf32, #tpu.memory_space<hbm>>)
    %add3A_562 = arith.constant 448 : i32
    %add3A_563 = arith.addi %mul3A_2, %add3A_562 : i32
    %dma_wait3A_564 = arith.constant 0 : i32
    %dma_wait3A_565 = tpu.memref_slice %arg5[%add3A_563, %dma_wait3A_564] : memref<16384x64xf32, #tpu.memory_space<hbm>> -> memref<64x64xf32, #tpu.memory_space<hbm>>
    %dma_wait3A_566 = arith.constant 0 : i32
    %dma_wait3A_567 = arith.constant 0 : i32
    %dma_wait3A_568 = tpu.memref_slice %arg2[%dma_wait3A_566, %dma_wait3A_567] : memref<1000001x64xf32, #tpu.memory_space<hbm>> -> memref<64x64xf32, #tpu.memory_space<hbm>>
    tpu.wait_dma2 semaphore(%arg15 : memref<!tpu.dma_semaphore, #tpu.memory_space<semaphore_mem>>) src(%dma_wait3A_568 : memref<64x64xf32, #tpu.memory_space<hbm>>) dst(%dma_wait3A_565 : memref<64x64xf32, #tpu.memory_space<hbm>>)
    return
  }
}

</mosaic_0001>

<sc_bundles>
// kernel: kernel.3.cloned.1.call-start
scs
__scs_entry_jumppad:
0x0: {  	(pc) =	sbr.rel $0x88, $3  }
0x1: {  	(tag) =	ssettag $0x0;
	lr =	simm.s32 $0x1  }
0x2: {  	[smem:$0x3F9E] =	sst lr;
	_ =	strace $0xD0000000  }
0x3: {  	_ = 	snop  }
0x4: {  	_ = 	snop  }
0x5: {  	_ = 	snop  }
0x6: {  	_ = 	snop  }
0x7: {  	_ = 	snop  }
__scs_overlays_trampoline_lowered:
0x8: {  	[smem:$0x3FAD] =	sst s0  }
0x9: {  	[smem:$0x3FAE] =	sst s1  }
0xa: {  	[smem:$0x3FAF] =	sst s2  }
0xb: {  	[smem:$0x3FB0] =	sst s3  }
0xc: {  	[smem:$0x3FB1] =	sst s4  }
0xd: {  	[smem:$0x3FB2] =	sst s5  }
0xe: {  	[smem:$0x3FB3] =	sst s6  }
0xf: {  	[smem:$0x3FB4] =	sst s7  }
0x10: {  	[smem:$0x3FB5] =	sst s8  }
0x11: {  	[smem:$0x3FB6] =	sst s9;
	s0 =	simm.s32 @!p0 $0x0  }
0x12: {  	s1 =	sld [smem:$0x3F9C];
	s0 =	simm.s32 @p0 $0x1  }
0x13: {  	[smem:$0x3FB7] =	sst s0;
	s0 =	simm.s32 @!p1 $0x0  }
0x14: {  	s2 =	sld [smem:$0x3F9B];
	s0 =	simm.s32 @p1 $0x1  }
0x15: {  	[smem:$0x3FB8] =	sst s0;
	s0 =	simm.s32 @!p2 $0x0  }
0x16: {  	s3 =	sld [smem:$0x3FDB];
	s0 =	simm.s32 @p2 $0x1  }
0x17: {  	s4 =	simm.s32 $0x1BF5;
	[smem:$0x3FBA] =	sst s0  }
0x18: {  	s0 =	sld [smem:$0x3F9D];
	_ =	swait.ge [sflag:s4], $0x0  }
0x19: {  	s7 =	sld [smem:$0x3F9E]  }
0x1a: {  	s8 =	sadd.s32 $0xFFFFE003, lr  }
0x1b: {  	s9 =	sadd.s32 $0xFFFFFEF7, lr;
	s5 =	simm.s32 $0xFFFFFFFF;
	p2 =	slt.u32 s8, $0xFFFFF086  }
0x1c: {  	p1 =	slt.u32 s9, $0xF7A;
	s5 =	simm.s32 @!p2 $0x0  }
0x1d: {  	s5 =	simm.s32 @p1 $0x1;
	p0 =	seq.s32 s7, s2  }
0x1e: {  	s7 =	smul.u32 @!p0 $0xF7A, s2;
	p2 =	seq.s32 @!p0 s5, $0x0  }
0x1f: {  	s9 =	smul.u32 $0xF7A, s1;
	s8 =	simm.s32 @!p0 $0x1BF5;
	p2 =	por !p2, p0  }
0x20: {  	[sflag:s8] =	ssyncset.s32 @!p0 $0xFFFFF086;
	s6 =	sadd.s32 @!p0 s3, s7;
	s7 =	simm.s32 @!p0 $0x108  }
0x21: {  	s3 =	sadd.s32 s3, s9;
	s6 =	sadd.s32 @!p0 $0x88, s6;
	s7 =	simm.s32 @p2 $0x1082  }
0x22: {  	[simem:s7], [sflag:s8] =	dma.local @!p0 [hbm:s6], $0xF7A  }
0x23: {  	s9 =	sor.u32 $0xD0000000, s2;
	s6 =	simm.s32 $0x108;
	_ =	swait.ge @!p0 [sflag:s8], $0x0  }
0x24: {  	s3 =	sadd.s32 $0x88, s3;
	s6 =	simm.s32 @!p1 $0x1082;
	[sflag:s4] =	ssyncset.s32 $0xFFFFF086  }
0x25: {  	[simem:s6], [sflag:s4] =	dma.local [hbm:s3], $0xF7A  }
0x26: {  	[smem:$0x3F9E] =	sst s1;
	(tag) =	ssettag s2;
	_ =	strace s9  }
0x27: {  	s1 =	sld [smem:$0x3FAE]  }
0x28: {  	s2 =	sld [smem:$0x3FAF]  }
0x29: {  	s4 =	sld [smem:$0x3FB1]  }
0x2a: {  	p0 =	seq.s32 s5, $0x0;
	s5 =	sld [smem:$0x3FB2]  }
0x2b: {  	s6 =	sld [smem:$0x3FB3]  }
0x2c: {  	s7 =	sld [smem:$0x3FB4]  }
0x2d: {  	s3 =	simm.s32 $0x108;
	s8 =	sld [smem:$0x3FB5]  }
0x2e: {  	s3 =	simm.s32 @!p0 $0x1082;
	s9 =	sld [smem:$0x3FB6]  }
0x2f: {  	lr =	sadd.s32 s0, s3;
	s0 =	sld [smem:$0x3FAD]  }
0x30: {  	s3 =	sld [smem:$0x3FB0]  }
0x31: {  	[smem:$0x3FB9] =	sst s10  }
0x32: {  	s10 =	sld [smem:$0x3FB7];
	_ =	sdelay $0x3  }
0x33: {  	p0 =	seq.s32 s10, $0x1;
	s10 =	sld [smem:$0x3FB9];
	_ =	sdelay $0x3  }
0x34: {  	[smem:$0x3FB9] =	sst s10  }
0x35: {  	s10 =	sld [smem:$0x3FB8];
	_ =	sdelay $0x3  }
0x36: {  	p1 =	seq.s32 s10, $0x1;
	s10 =	sld [smem:$0x3FB9];
	_ =	sdelay $0x3  }
0x37: {  	[smem:$0x3FB9] =	sst s10  }
0x38: {  	s10 =	sld [smem:$0x3FBA]  }
0x39: {  	_ = 	snop;
	(pc) =	sbr.ind lr, $3  }
0x3a: {  	_ = 	snop  }
0x3b: {  	_ = 	snop  }
0x3c: {  	p2 =	seq.s32 s10, $0x1;
	s10 =	sld [smem:$0x3FB9]  }
0x3d: {  	_ =	shalt  }
0x3e: {  	_ =	shalt  }
0x3f: {  	_ =	shalt  }
0x40: {  	_ =	shalt  }
0x41: {  	_ =	shalt  }
0x42: {  	_ =	shalt  }
0x43: {  	_ =	shalt  }
0x44: {  	_ =	shalt  }
0x45: {  	_ =	shalt  }
0x46: {  	_ =	shalt  }
0x47: {  	_ =	shalt  }
0x48: {  	_ =	shalt  }
0x49: {  	_ =	shalt  }
0x4a: {  	_ =	shalt  }
0x4b: {  	_ =	shalt  }
0x4c: {  	_ =	shalt  }
0x4d: {  	_ =	shalt  }
0x4e: {  	_ =	shalt  }
0x4f: {  	_ =	shalt  }
0x50: {  	_ =	shalt  }
0x51: {  	_ =	shalt  }
0x52: {  	_ =	shalt  }
0x53: {  	_ =	shalt  }
0x54: {  	_ =	shalt  }
0x55: {  	_ =	shalt  }
0x56: {  	_ =	shalt  }
0x57: {  	_ =	shalt  }
0x58: {  	_ =	shalt  }
0x59: {  	_ =	shalt  }
0x5a: {  	_ =	shalt  }
0x5b: {  	_ =	shalt  }
0x5c: {  	_ =	shalt  }
0x5d: {  	_ =	shalt  }
0x5e: {  	_ =	shalt  }
0x5f: {  	_ =	shalt  }
0x60: {  	_ =	shalt  }
0x61: {  	_ =	shalt  }
0x62: {  	_ =	shalt  }
0x63: {  	_ =	shalt  }
0x64: {  	_ =	shalt  }
0x65: {  	_ =	shalt  }
0x66: {  	_ =	shalt  }
0x67: {  	_ =	shalt  }
0x68: {  	_ =	shalt  }
0x69: {  	_ =	shalt  }
0x6a: {  	_ =	shalt  }
0x6b: {  	_ =	shalt  }
0x6c: {  	_ =	shalt  }
0x6d: {  	_ =	shalt  }
0x6e: {  	_ =	shalt  }
0x6f: {  	_ =	shalt  }
0x70: {  	_ =	shalt  }
0x71: {  	_ =	shalt  }
0x72: {  	_ =	shalt  }
0x73: {  	_ =	shalt  }
0x74: {  	_ =	shalt  }
0x75: {  	_ =	shalt  }
0x76: {  	_ =	shalt  }
0x77: {  	_ =	shalt  }
0x78: {  	_ =	shalt  }
0x79: {  	_ =	shalt  }
0x7a: {  	_ =	shalt  }
0x7b: {  	_ =	shalt  }
0x7c: {  	_ =	shalt  }
0x7d: {  	_ =	shalt  }
0x7e: {  	_ =	shalt  }
0x7f: {  	_ =	shalt  }
0x80: {  	_ =	shalt  }
0x81: {  	_ =	shalt  }
0x82: {  	_ =	shalt  }
0x83: {  	_ =	shalt  }
0x84: {  	_ =	shalt  }
0x85: {  	_ =	shalt  }
0x86: {  	_ =	shalt  }
0x87: {  	_ =	shalt  }
.Lfunc_end0:
.L_simem_size_0:
called_computation_lowered:
.L_overlay_start_0:
0x88: {  	s2 =	sld [smem:$0x3FD9]  }
0x89: {  	s3 =	sld [smem:$0x3FFE];
	_ =	sdelay $0x1  }
0x8a: {  	s1 =	srdreg.scid  }
0x8b: {  	s0 =	sand.u32 $0x1, s1  }
0x8c: {  	s17 =	sshll.u32 s0, $0xA;
	s2 =	sadd.s32 s3, s2  }
0x8d: {  	s2 =	sadd.s32 s2, s17  }
0x8e: {  	[smem:$0x3FC5] =	sst s2  }
0x8f: {  	_ = 	snop  }
0x90: {  	s2 =	sld [smem:$0x3FC9]  }
0x91: {  	s18 =	sld [smem:$0x3FD0];
	(tm) =	ssettm $0x1  }
0x92: {  	s4 =	sld [smem:$0x3FFB];
	_ =	sdelay $0x3  }
0x93: {  	_ =	strace s4  }
0x94: {  	s4 =	sld [smem:$0x3FFC];
	_ =	sdelay $0x3  }
0x95: {  	_ =	strace s4  }
0x96: {  	s4 =	sld [smem:$0x3FFD];
	_ =	sdelay $0x3  }
0x97: {  	_ =	strace s4  }
0x98: {  	_ =	strace $0x8FFFFFFF  }
0x99: {  	s19 =	sld [smem:$0x3FDB];
	_ =	sdelay $0x1  }
0x9a: {  	s5 =	simm.s32 $_scs_section_size  }
0x9b: {  	s6 =	simm.s32 $_size__tile_overlayer_lowered;
	s7 =	simm.s32 $_tile_overlayer_lowered  }
0x9c: {  	s22 =	simm.s32 $0x1BFF;
	s21 =	sshll.u32 s7, $0x1;
	s4 =	sadd.s32 s5, s19  }
0x9d: {  	s8 =	simm.s32 $0x0;
	s20 =	sshll.u32 s6, $0x1;
	s6 =	sadd.s32 s21, s4  }
0x9e: {  	[timem:s8], [sflag:s22] =	dma.local [hbm:s6], s20  }
0x9f: {  	_ =	swait.ge [sflag:s22], s20  }
0xa0: {  	s5 =	ssub.s32 $0x0, s20;
	[sflag:s22] =	ssyncset.done $0x0  }
0xa1: {  	[sflag:s22] =	ssyncadd.s32 s5;
	_ =	sdelay $0x1  }
0xa2: {  	s23 =	simm.s32 $0x1B8B  }
0xa3: {  	_ =	swait.ge [sflag:s23], $0x1  }
0xa4: {  	[sflag:s23] =	ssyncset.done $0x0  }
0xa5: {  	s25 =	simm.s32 $0x1B8E;
	s24 =	sld [smem:$0x3FFE];
	[sflag:s23] =	ssyncadd.s32 $0xFFFFFFFF  }
0xa6: {  	s26 =	simm.s32 $execute0_lowered;
	[smem:$0x3FD2] =	sst s25  }
0xa7: {  	s6 =	sshll.u32 s26, $0x1;
	_ =	strace $0x80000046;
	[dreg:$0x1] =	wrdreg $0xFFFFFFFF  }
0xa8: {  	s28 =	simm.s32 $_size_execute0_lowered;
	s4 =	sadd.s32 s4, s6;
	[dreg:$0x0] =	wrdreg $0x0  }
0xa9: {  	s6 =	sshll.u32 s28, $0x1;
	[dreg:$0x2] =	wrdreg s4  }
0xaa: {  	[dreg:$0x3] =	wrdreg s6  }
0xab: {  	[dreg:$0x4] =	wrdreg $0xC0  }
0xac: {  	_ =	task [dreg:s8], $0x5FFFF  }
0xad: {  	[dreg:$0x1] =	wrdreg $0xFFFFFFFF  }
0xae: {  	[dreg:$0x0] =	wrdreg $0x60  }
0xaf: {  	[dreg:$0x2] =	wrdreg s24  }
0xb0: {  	[dreg:$0x3] =	wrdreg s2  }
0xb1: {  	[dreg:$0x4] =	wrdreg s18  }
0xb2: {  	[dreg:$0x5] =	wrdreg $0x9  }
0xb3: {  	_ =	task.clear_ibuf [dreg:s8], $0x6FFFF;
	_ =	strace $0x90000046  }
0xb4: {  	s29 =	simm.s32 $0x9;
	_ =	strace $0x80000048  }
0xb5: {  	_ =	swait.ge [sflag:s29], $0x1  }
0xb6: {  	[sflag:s29] =	ssyncadd.s32 $0xFFFFFFFF  }
0xb7: {  	_ =	strace $0x90000048  }
0xb8: {  	_ =	sfence  }
0xb9: {  	s30 =	sld [smem:$0x0];
	_ =	sdelay $0x2  }
0xba: {  	s31 =	sshll.u32 s1, $0xD;
	s1 =	sshrl.u32 s1, $0x2  }
0xbb: {  	s3 =	sand.u32 $0x4000, s31;
	s1 =	sadd.s32 s1, s30  }
0xbc: {  	s0 =	sor.u32 s3, s0;
	s1 =	sshll.u32 s1, $0x11  }
0xbd: {  	s0 =	sor.u32 s1, s0  }
0xbe: {  	s0 =	sadd.s32 $0x8F2B, s0  }
0xbf: {  	[sflag:s0] =	ssyncadd.remote.s32 $0x1  }
0xc0: {  	_ =	sfence.sel $0xFFFF  }
0xc1: {  	[dreg:$0x0] =	wrdreg $0xFFFFFFFF;
	(pc) =	sbr.abs _section_cstart, $3  }
0xc2: {  	[dreg:$0x1] =	wrdreg $0xFFFFFFFF  }
0xc3: {  	_ =	task.clear_ibuf [dreg:s8], $0x2FFFF;
	_ =	strace $0x9FFFFFFF  }
0xc4: {  	(tm) =	ssettm $0x7FFFFFFF  }
0xc5: {  	_ =	shalt  }
tec
execute0_lowered:
.L_overlay_start_1:
0x0: {  	(tag) =	ssettag $0x1  }
0x1: {  	s0 =	rddreg [dreg:$0x0]  }
0x2: {  	s1 =	rddreg [dreg:$0x1]  }
0x3: {  	s2 =	rddreg [dreg:$0x2];
	s3 =	simm.s32 $0x0;
	s4 =	srdreg.scid  }
0x4: {  	s8 =	stileid.u32;
	[smem:$0x7FF] =	sst s3  }
0x5: {  	s11 =	sadd.s32 $0x400, s0;
	s4 =	sand.u32 $0x1, s4;
	s5 =	sshll.u32 s8, $0xE  }
0x6: {  	s6 =	sshll.u32 s8, $0xA;
	s25 =	sshll.u32 s8, $0x6;
	_ =	strace $0x80000047  }
0x7: {  	s7 =	sshll.u32 s4, $0x9;
	s0 =	sadd.s32 s5, s0;
	s21 =	ssub.s32 $0x2, s4  }
0x8: {  	s4 =	sshll.u32 s4, $0xD;
	s26 =	sor.u32 $0x1C01, s25;
	s28 =	sor.u32 $0x1C04, s25  }
0x9: {  	s30 =	sor.u32 $0x1C02, s25;
	s31 =	sor.u32 $0x1C07, s25;
	[dreg:$0x5] =	wrdreg s28  }
0xa: {  	s6 =	sor.u32 s7, s6;
	s0 =	sadd.s32 s4, s0;
	[dreg:$0x6] =	wrdreg s31  }
0xb: {  	[dreg:$0x8] =	wrdreg s26;
	s6 =	sshrl.u32 s6, $0x3;
	s0 =	sadd.s32 $0xF42A00, s0  }
0xc: {  	s22 =	sshrl.u32 s21, $0x1;
	s1 =	sadd.s32 s1, s6;
	[dreg:$0x4] =	wrdreg s0  }
0xd: {  	s5 =	ssub.s32 s21, s22;
	s23 =	sadd.s32 s2, s6;
	[dreg:$0x12] =	wrdreg s1  }
0xe: {  	s8 =	sor.u32 $0x1C03, s25;
	s24 =	smax.u32 s5, $0x1;
	[dreg:$0x13] =	wrdreg s23  }
0xf: {  	s29 =	sor.u32 $0x1C05, s25;
	s0 =	sor.u32 $0x1C08, s25;
	[dreg:$0x14] =	wrdreg s24  }
0x10: {  	s5 =	sor.u32 $0x1C06, s25;
	s2 =	simm.s32 $0x0;
	[dreg:$0x7] =	wrdreg s0  }
.LBB2_1:
0x11: {  	[dreg:$0x15] =	wrdreg s2  }
0x12: {  	s0 =	simm.s32 $0x0;
	s1 =	rddreg [dreg:$0x12];
	s16 =	simm.s32 $0x9  }
0x13: {  	[tilespmem:s0], [sflag:$0x9] =	stream.linear.gather [hbm4b:s1+s0], $0x200, $0x38;
	[tilespmem:$0x400] =	vst v63  }
0x14: {  	_ =	swait.ge [sflag:s16], $0x200  }
0x15: {  	[sflag:s16] =	ssyncset.done $0x0  }
0x16: {  	s4 =	simm.s32 $0x200;
	s17 =	rddreg [dreg:$0x13];
	[sflag:s16] =	ssyncadd.s32 $0xFFFFFE00  }
0x17: {  	[tilespmem:s4], [sflag:$0x9] =	stream.linear.gather [hbm4b:s17+s0], $0x200, $0x38;
	[tilespmem:$0x400] =	vst v63  }
0x18: {  	_ =	swait.ge [sflag:s16], $0x200  }
0x19: {  	[sflag:s16] =	ssyncset.done $0x0  }
0x1a: {  	[sflag:s16] =	ssyncadd.s32 $0xFFFFFE00  }
0x1b: {  	v0 =	vld [tilespmem:$0x200]  }
0x1c: {  	v1 =	vld [tilespmem:$0x0]  }
0x1d: {  	v2 =	vld [tilespmem:$0x210]  }
0x1e: {  	v3 =	vld [tilespmem:$0x10]  }
0x1f: {  	v4 =	vld [tilespmem:$0x220]  }
0x20: {  	v5 =	vld [tilespmem:$0x20]  }
0x21: {  	v6 =	vld [tilespmem:$0x230]  }
0x22: {  	v7 =	vld [tilespmem:$0x30]  }
0x23: {  	v8 =	vld [tilespmem:$0x240]  }
0x24: {  	v9 =	vld [tilespmem:$0x40]  }
0x25: {  	v10 =	vld [tilespmem:$0x250]  }
0x26: {  	v11 =	vld [tilespmem:$0x50]  }
0x27: {  	v12 =	vld [tilespmem:$0x260]  }
0x28: {  	v13 =	vld [tilespmem:$0x60]  }
0x29: {  	v14 =	vld [tilespmem:$0x270]  }
0x2a: {  	v15 =	vld [tilespmem:$0x70]  }
0x2b: {  	v16 =	vld [tilespmem:$0x280]  }
0x2c: {  	v17 =	vld [tilespmem:$0x80]  }
0x2d: {  	v18 =	vld [tilespmem:$0x290]  }
0x2e: {  	v19 =	vld [tilespmem:$0x90]  }
0x2f: {  	v20 =	vld [tilespmem:$0x2A0]  }
0x30: {  	v21 =	vld [tilespmem:$0xA0]  }
0x31: {  	v22 =	vld [tilespmem:$0x2B0]  }
0x32: {  	v23 =	vld [tilespmem:$0xB0]  }
0x33: {  	v24 =	vld [tilespmem:$0x2C0]  }
0x34: {  	v25 =	vld [tilespmem:$0xC0]  }
0x35: {  	v26 =	vld [tilespmem:$0x2D0]  }
0x36: {  	v27 =	vld [tilespmem:$0xD0]  }
0x37: {  	v28 =	vld [tilespmem:$0x2E0]  }
0x38: {  	v29 =	vld [tilespmem:$0xE0]  }
0x39: {  	v30 =	vld [tilespmem:$0x2F0]  }
0x3a: {  	v31 =	vld [tilespmem:$0xF0]  }
0x3b: {  	v32 =	vld [tilespmem:$0x300]  }
0x3c: {  	v33 =	vld [tilespmem:$0x100]  }
0x3d: {  	v34 =	vld [tilespmem:$0x310]  }
0x3e: {  	v35 =	vld [tilespmem:$0x110]  }
0x3f: {  	v44 =	vld [tilespmem:$0x320];
	vm0 =	veq.s32 v0, $0x0  }
0x40: {  	v45 =	vld [tilespmem:$0x120];
	vm9 =	veq.s32 v2, $0x0;
	v1 =	vnsel vm0, $0xF4240, v1  }
0x41: {  	v47 =	vld [tilespmem:$0x330];
	vm10 =	veq.s32 v4, $0x0;
	v46 =	vnsel vm9, $0xF4240, v3;
	[tilespmem:$0x0] =	vst v1  }
0x42: {  	v49 =	vld [tilespmem:$0x130];
	vm11 =	veq.s32 v6, $0x0;
	v48 =	vnsel vm10, $0xF4240, v5;
	[tilespmem:$0x10] =	vst v46  }
0x43: {  	v51 =	vld [tilespmem:$0x340];
	vm12 =	veq.s32 v8, $0x0;
	v50 =	vnsel vm11, $0xF4240, v7;
	[tilespmem:$0x20] =	vst v48  }
0x44: {  	v53 =	vld [tilespmem:$0x140];
	vm13 =	veq.s32 v10, $0x0;
	v52 =	vnsel vm12, $0xF4240, v9;
	[tilespmem:$0x30] =	vst v50  }
0x45: {  	v55 =	vld [tilespmem:$0x350];
	vm14 =	veq.s32 v12, $0x0;
	v54 =	vnsel vm13, $0xF4240, v11;
	[tilespmem:$0x40] =	vst v52  }
0x46: {  	v57 =	vld [tilespmem:$0x150];
	vm15 =	veq.s32 v14, $0x0;
	v56 =	vnsel vm14, $0xF4240, v13;
	[tilespmem:$0x50] =	vst v54  }
0x47: {  	v59 =	vld [tilespmem:$0x360];
	vm4 =	veq.s32 v16, $0x0;
	v58 =	vnsel vm15, $0xF4240, v15;
	[tilespmem:$0x60] =	vst v56  }
0x48: {  	v61 =	vld [tilespmem:$0x160];
	vm5 =	veq.s32 v18, $0x0;
	v60 =	vnsel vm4, $0xF4240, v17;
	[tilespmem:$0x70] =	vst v58  }
0x49: {  	v63 =	vld [tilespmem:$0x370];
	vm6 =	veq.s32 v20, $0x0;
	v62 =	vnsel vm5, $0xF4240, v19;
	[tilespmem:$0x80] =	vst v60  }
0x4a: {  	v37 =	vld [tilespmem:$0x3A0];
	vm7 =	veq.s32 v22, $0x0;
	v21 =	vnsel vm6, $0xF4240, v21;
	[tilespmem:$0x90] =	vst v62  }
0x4b: {  	v39 =	vld [tilespmem:$0x1A0];
	vm8 =	veq.s32 v24, $0x0;
	v23 =	vnsel vm7, $0xF4240, v23;
	[tilespmem:$0xA0] =	vst v21  }
0x4c: {  	v41 =	vld [tilespmem:$0x3B0];
	v25 =	vnsel vm8, $0xF4240, v25;
	vm9 =	veq.s32 v26, $0x0;
	[tilespmem:$0xB0] =	vst v23  }
0x4d: {  	v43 =	vld [tilespmem:$0x1B0];
	vm10 =	veq.s32 v28, $0x0;
	[tilespmem:$0xC0] =	vst v25;
	v27 =	vnsel vm9, $0xF4240, v27  }
0x4e: {  	v22 =	vld [tilespmem:$0x170];
	vm11 =	veq.s32 v30, $0x0;
	v29 =	vnsel vm10, $0xF4240, v29;
	[tilespmem:$0xD0] =	vst v27  }
0x4f: {  	v24 =	vld [tilespmem:$0x380];
	vm12 =	veq.s32 v32, $0x0;
	v36 =	vnsel vm11, $0xF4240, v31;
	[tilespmem:$0xE0] =	vst v29  }
0x50: {  	v26 =	vld [tilespmem:$0x180];
	vm13 =	veq.s32 v34, $0x0;
	v38 =	vnsel vm12, $0xF4240, v33;
	[tilespmem:$0xF0] =	vst v36  }
0x51: {  	v28 =	vld [tilespmem:$0x390];
	vm14 =	veq.s32 v44, $0x0;
	v40 =	vnsel vm13, $0xF4240, v35;
	[tilespmem:$0x100] =	vst v38  }
0x52: {  	v30 =	vld [tilespmem:$0x190];
	vm15 =	veq.s32 v47, $0x0;
	v42 =	vnsel vm14, $0xF4240, v45;
	[tilespmem:$0x110] =	vst v40  }
0x53: {  	vm4 =	veq.s32 v51, $0x0;
	v47 =	vld [tilespmem:$0x1C0];
	v44 =	vnsel vm15, $0xF4240, v49;
	[tilespmem:$0x120] =	vst v42  }
0x54: {  	vm5 =	veq.s32 v55, $0x0;
	v51 =	vld [tilespmem:$0x1D0];
	v46 =	vnsel vm4, $0xF4240, v53;
	[tilespmem:$0x130] =	vst v44  }
0x55: {  	vm6 =	veq.s32 v59, $0x0;
	v55 =	vld [tilespmem:$0x1E0];
	v48 =	vnsel vm5, $0xF4240, v57;
	[tilespmem:$0x140] =	vst v46  }
0x56: {  	v45 =	vld [tilespmem:$0x3C0];
	v50 =	vnsel vm6, $0xF4240, v61;
	vm10 =	veq.s32 v37, $0x0;
	[tilespmem:$0x150] =	vst v48  }
0x57: {  	v49 =	vld [tilespmem:$0x3D0];
	vm11 =	veq.s32 v41, $0x0;
	[tilespmem:$0x160] =	vst v50;
	v58 =	vnsel vm10, $0xF4240, v39  }
0x58: {  	vm7 =	veq.s32 v63, $0x0;
	v53 =	vld [tilespmem:$0x3E0];
	v60 =	vnsel vm11, $0xF4240, v43;
	[tilespmem:$0x1A0] =	vst v58  }
0x59: {  	v57 =	vld [tilespmem:$0x3F0];
	[tilespmem:$0x1B0] =	vst v60;
	v52 =	vnsel vm7, $0xF4240, v22;
	vm8 =	veq.s32 v24, $0x0  }
0x5a: {  	v59 =	vld [tilespmem:$0x1F0];
	[tilespmem:$0x170] =	vst v52;
	v54 =	vnsel vm8, $0xF4240, v26;
	vm9 =	veq.s32 v28, $0x0  }
0x5b: {  	[tilespmem:$0x180] =	vst v54;
	v56 =	vnsel vm9, $0xF4240, v30;
	vm12 =	veq.s32 v45, $0x0  }
0x5c: {  	vm13 =	veq.s32 v49, $0x0;
	[tilespmem:$0x190] =	vst v56;
	v61 =	vnsel vm12, $0xF4240, v47  }
0x5d: {  	vm14 =	veq.s32 v53, $0x0;
	v62 =	vnsel vm13, $0xF4240, v51;
	[tilespmem:$0x1C0] =	vst v61  }
0x5e: {  	vm15 =	veq.s32 v57, $0x0;
	v63 =	vnsel vm14, $0xF4240, v55;
	[tilespmem:$0x1D0] =	vst v62  }
0x5f: {  	v0 =	vnsel vm15, $0xF4240, v59;
	[tilespmem:$0x1E0] =	vst v63  }
0x60: {  	[tilespmem:$0x1F0] =	vst v0  }
0x61: {  	v0 =	vld [tilespmem:s0+$0x0];
	_ =	sdelay $0x4  }
0x62: {  	v0 =	vshll.u32 v0, $0x4  }
0x63: {  	(v2sf) =	vpush v0, $0x0  }
0x64: {  	(v2sf) =	vpush v0, $0xF  }
0x65: {  	(v2sf) =	vpush v0, $0x6  }
0x66: {  	(v2sf) =	vpush v0, $0x5  }
0x67: {  	(v2sf) =	vpush v0, $0xE;
	_ =	sdelay $0x4  }
0x68: {  	(v2sf) =	vpush v0, $0x9  }
0x69: {  	s18 =	rddreg [dreg:$0x4];
	(v2sf) =	vpush v0, $0xC  }
0x6a: {  	s2 =	sadd.s32 $0x0, s18;
	(v2sf) =	vpush v0, $0x2  }
0x6b: {  	s28 =	simm.s32 $0x100;
	s31 =	simm.s32 $0x10;
	s6 =	sadd.s32 $0x40, s2;
	(v2sf) =	vpush v0, $0xB  }
0x6c: {  	s22 =	sadd.s32 $0xF0, s2;
	s26 =	sadd.s32 $0xD0, s2;
	s19 =	sadd.s32 $0xA0, s2;
	(v2sf) =	vpush v0, $0xD  }
0x6d: {  	s25 =	sadd.s32 $0xE0, s2;
	s20 =	sadd.s32 $0xB0, s2;
	[dreg:$0xb] =	wrdreg s19;
	(v2sf) =	vpush v0, $0x3  }
0x6e: {  	s21 =	sadd.s32 $0xC0, s2;
	[dreg:$0xc] =	wrdreg s20;
	(v2sf) =	vpush v0, $0x7;
	s23 =	spop (v2sf)  }
0x6f: {  	s13 =	sadd.s32 $0x70, s2;
	[dreg:$0xa] =	wrdreg s21;
	(v2sf) =	vpush v0, $0x8;
	s17 =	spop (v2sf)  }
0x70: {  	s19 =	sadd.s32 $0x10, s2;
	s0 =	sadd.s32 $0x80, s2;
	(v2sf) =	vpush v0, $0x4;
	s18 =	spop (v2sf)  }
0x71: {  	[dreg:$0x9] =	wrdreg s0;
	(v2sf) =	vpush v0, $0x1;
	s20 =	sand.u32 $0x1FFFFFF0, s17;
	s24 =	spop (v2sf)  }
0x72: {  	s21 =	sand.u32 $0x1FFFFFF0, s18;
	(v2sf) =	vpush v0, $0xA;
	s18 =	sand.u32 $0x1FFFFFF0, s24;
	s17 =	spop (v2sf)  }
.LBB2_2:
0x73: {  	_ =	sdelay $0x1  }
0x74: {  	[dreg:$0xe] =	wrdreg s25  }
0x75: {  	s0 =	sadd.s32 $0x30, s2;
	s14 =	sadd.s32 s11, s21;
	s21 =	sadd.s32 $0x20, s2  }
0x76: {  	s15 =	sadd.s32 s11, s20;
	s9 =	sand.u32 $0x1FFFFFF0, s23;
	s24 =	spop (v2sf)  }
0x77: {  	s23 =	sadd.s32 $0x60, s2;
	s20 =	sadd.s32 $0x50, s2;
	s16 =	spop (v2sf)  }
0x78: {  	s7 =	smov.u32 s26;
	s3 =	smov.u32 s13;
	s10 =	spop (v2sf)  }
0x79: {  	s13 =	smov.u32 s5;
	s5 =	smov.u32 s29;
	s12 =	spop (v2sf)  }
0x7a: {  	s4 =	smov.u32 s8;
	[dreg:$0xf] =	wrdreg s14;
	s14 =	spop (v2sf)  }
0x7b: {  	s8 =	smov.u32 s30;
	[dreg:$0xd] =	wrdreg s15;
	s15 =	spop (v2sf)  }
0x7c: {  	[dreg:$0x10] =	wrdreg s0;
	s25 =	sand.u32 $0x1FFFFFF0, s16;
	s16 =	spop (v2sf)  }
0x7d: {  	s18 =	sadd.s32 s11, s18;
	[dreg:$0x11] =	wrdreg s23;
	s0 =	spop (v2sf)  }
0x7e: {  	s9 =	sadd.s32 s11, s9;
	s10 =	sand.u32 $0x1FFFFFF0, s10;
	s29 =	spop (v2sf)  }
0x7f: {  	s23 =	sadd.s32 $0x90, s2;
	s10 =	sadd.s32 s11, s10;
	s30 =	spop (v2sf)  }
0x80: {  	s15 =	sand.u32 $0x1FFFFFF0, s15;
	s26 =	sand.u32 $0x1FFFFFF0, s0;
	s1 =	spop (v2sf)  }
0x81: {  	s29 =	sand.u32 $0x1FFFFFF0, s29;
	s30 =	sand.u32 $0x1FFFFFF0, s30;
	s0 =	sand.u32 $0x1FFFFFF0, s1  }
0x82: {  	s30 =	sadd.s32 s11, s30;
	s1 =	smov.u32 s22;
	s22 =	rddreg [dreg:$0x8]  }
0x83: {  	[hbm:s2], [sflag:s22] =	dma.local [hbm:s9], $0x10  }
0x84: {  	[hbm:s19], [sflag:s8] =	dma.local [hbm:s30], $0x10  }
0x85: {  	[hbm:s21], [sflag:s4] =	dma.local [hbm:s10], $0x10  }
0x86: {  	s15 =	sadd.s32 s11, s15;
	s29 =	sadd.s32 s11, s29;
	s2 =	rddreg [dreg:$0x5]  }
0x87: {  	s30 =	smov.u32 s8;
	s8 =	smov.u32 s4;
	s4 =	rddreg [dreg:$0x10]  }
0x88: {  	[hbm:s4], [sflag:s2] =	dma.local [hbm:s15], $0x10  }
0x89: {  	[hbm:s6], [sflag:s5] =	dma.local [hbm:s29], $0x10  }
0x8a: {  	[hbm:s20], [sflag:s13] =	dma.local [hbm:s18], $0x10  }
0x8b: {  	s19 =	rddreg [dreg:$0x6]  }
0x8c: {  	s17 =	sand.u32 $0x1FFFFFF0, s17;
	s20 =	rddreg [dreg:$0xf]  }
0x8d: {  	s24 =	sand.u32 $0x1FFFFFF0, s24;
	s16 =	sand.u32 $0x1FFFFFF0, s16;
	s21 =	rddreg [dreg:$0x11]  }
0x8e: {  	[hbm:s21], [sflag:s19] =	dma.local [hbm:s20], $0x10  }
0x8f: {  	s24 =	sadd.s32 s11, s24;
	s16 =	sadd.s32 s11, s16;
	s6 =	rddreg [dreg:$0x7]  }
0x90: {  	[hbm:s3], [sflag:s6] =	dma.local [hbm:s16], $0x10  }
0x91: {  	s25 =	sadd.s32 s11, s25;
	s26 =	sadd.s32 s11, s26;
	s10 =	rddreg [dreg:$0x9]  }
0x92: {  	[hbm:s10], [sflag:s22] =	dma.local [hbm:s26], $0x10  }
0x93: {  	[hbm:s23], [sflag:s30] =	dma.local [hbm:s24], $0x10  }
0x94: {  	s12 =	sand.u32 $0x1FFFFFF0, s12;
	s0 =	sadd.s32 s11, s0;
	s15 =	rddreg [dreg:$0xb]  }
0x95: {  	[hbm:s15], [sflag:s8] =	dma.local [hbm:s0], $0x10  }
0x96: {  	s14 =	sand.u32 $0x1FFFFFF0, s14;
	s12 =	sadd.s32 s11, s12;
	s0 =	rddreg [dreg:$0xc]  }
0x97: {  	[hbm:s0], [sflag:s2] =	dma.local [hbm:s12], $0x10  }
0x98: {  	s14 =	sadd.s32 s11, s14;
	s29 =	smov.u32 s5;
	s0 =	rddreg [dreg:$0xa]  }
0x99: {  	[hbm:s0], [sflag:s29] =	dma.local [hbm:s25], $0x10  }
0x9a: {  	[hbm:s7], [sflag:s13] =	dma.local [hbm:s14], $0x10  }
0x9b: {  	s17 =	sadd.s32 s11, s17;
	s16 =	rddreg [dreg:$0xe]  }
0x9c: {  	[hbm:s16], [sflag:s19] =	dma.local [hbm:s17], $0x10  }
0x9d: {  	s0 =	rddreg [dreg:$0xd]  }
0x9e: {  	[hbm:s1], [sflag:s6] =	dma.local [hbm:s0], $0x10  }
0x9f: {  	v0 =	vld [tilespmem:s31+$0x0];
	_ =	sdelay $0x4  }
0xa0: {  	v0 =	vshll.u32 v0, $0x4  }
0xa1: {  	(v2sf) =	vpush v0, $0x0  }
0xa2: {  	(v2sf) =	vpush v0, $0xF  }
0xa3: {  	(v2sf) =	vpush v0, $0x6  }
0xa4: {  	(v2sf) =	vpush v0, $0x5  }
0xa5: {  	(v2sf) =	vpush v0, $0xE;
	_ =	sdelay $0x4  }
0xa6: {  	(v2sf) =	vpush v0, $0x9  }
0xa7: {  	p0 =	sne.s32 s28, $0x1F00;
	s17 =	smov.u32 s28;
	s1 =	rddreg [dreg:$0x4];
	(v2sf) =	vpush v0, $0xC  }
0xa8: {  	s5 =	smov.u32 s13;
	s28 =	sadd.s32 $0x100, s28;
	s2 =	sadd.s32 s17, s1;
	(v2sf) =	vpush v0, $0x2  }
0xa9: {  	s31 =	sadd.s32 $0x10, s31;
	s0 =	sadd.s32 $0x80, s2;
	s6 =	sadd.s32 $0x40, s2;
	(v2sf) =	vpush v0, $0xB  }
0xaa: {  	s22 =	sadd.s32 $0xF0, s2;
	s18 =	sadd.s32 $0xA0, s2;
	[dreg:$0x9] =	wrdreg s0;
	(v2sf) =	vpush v0, $0xD  }
0xab: {  	s26 =	sadd.s32 $0xD0, s2;
	s25 =	sadd.s32 $0xE0, s2;
	[dreg:$0xb] =	wrdreg s18;
	(v2sf) =	vpush v0, $0x3  }
.Ltmp0:
0xac: {  	s1 =	sadd.s32 $0xB0, s2;
	(v2sf) =	vpush v0, $0x7;
	s23 =	spop (v2sf);
	(pc) =	sbr.rel @p0 .LBB2_2-.Ltmp0, $4  }
0xad: {  	s20 =	sadd.s32 $0xC0, s2;
	[dreg:$0xc] =	wrdreg s1;
	(v2sf) =	vpush v0, $0x8;
	s19 =	spop (v2sf)  }
0xae: {  	s13 =	sadd.s32 $0x70, s2;
	[dreg:$0xa] =	wrdreg s20;
	(v2sf) =	vpush v0, $0x4;
	s21 =	spop (v2sf)  }
0xaf: {  	(v2sf) =	vpush v0, $0x1;
	s20 =	sand.u32 $0x1FFFFFF0, s19;
	s19 =	sadd.s32 $0x10, s2;
	s24 =	spop (v2sf)  }
0xb0: {  	(v2sf) =	vpush v0, $0xA;
	s21 =	sand.u32 $0x1FFFFFF0, s21;
	s18 =	sand.u32 $0x1FFFFFF0, s24;
	s17 =	spop (v2sf)  }
0xb1: {  	_ =	sdelay $0x3  }
0xb2: {  	s0 =	spop (v2sf)  }
0xb3: {  	s7 =	spop (v2sf)  }
0xb4: {  	s9 =	spop (v2sf)  }
0xb5: {  	s10 =	spop (v2sf)  }
0xb6: {  	s3 =	spop (v2sf)  }
0xb7: {  	s12 =	spop (v2sf)  }
0xb8: {  	s1 =	spop (v2sf)  }
0xb9: {  	s14 =	spop (v2sf)  }
0xba: {  	s16 =	sand.u32 $0x1FFFFFF0, s23;
	s15 =	spop (v2sf)  }
0xbb: {  	s24 =	rddreg [dreg:$0x8];
	s16 =	sadd.s32 s11, s16;
	s4 =	spop (v2sf)  }
0xbc: {  	s9 =	sand.u32 $0x1FFFFFF0, s9;
	s23 =	spop (v2sf);
	s4 =	sand.u32 $0x1FFFFFF0, s4  }
0xbd: {  	[hbm:s2], [sflag:s24] =	dma.local [hbm:s16], $0x10  }
0xbe: {  	s31 =	sadd.s32 $0x30, s2;
	s9 =	sadd.s32 s11, s9;
	s16 =	sadd.s32 s11, s4  }
0xbf: {  	[hbm:s19], [sflag:s30] =	dma.local [hbm:s16], $0x10  }
0xc0: {  	s28 =	sand.u32 $0x1FFFFFF0, s12;
	s12 =	sand.u32 $0x1FFFFFF0, s15;
	s19 =	sadd.s32 $0x20, s2  }
0xc1: {  	[hbm:s19], [sflag:s8] =	dma.local [hbm:s9], $0x10  }
0xc2: {  	s15 =	sadd.s32 $0x50, s2;
	s9 =	sadd.s32 s11, s28;
	s4 =	rddreg [dreg:$0x5]  }
0xc3: {  	[hbm:s31], [sflag:s4] =	dma.local [hbm:s9], $0x10  }
0xc4: {  	s16 =	sadd.s32 s11, s18;
	s18 =	sadd.s32 s11, s21;
	s9 =	sadd.s32 s11, s12  }
0xc5: {  	[hbm:s6], [sflag:s29] =	dma.local [hbm:s9], $0x10  }
0xc6: {  	[hbm:s15], [sflag:s5] =	dma.local [hbm:s16], $0x10  }
0xc7: {  	s19 =	sadd.s32 $0x60, s2;
	s28 =	sand.u32 $0x1FFFFFF0, s1;
	s21 =	rddreg [dreg:$0x6]  }
0xc8: {  	[hbm:s19], [sflag:s21] =	dma.local [hbm:s18], $0x10  }
0xc9: {  	s31 =	sand.u32 $0x1FFFFFF0, s14;
	s6 =	sadd.s32 s11, s28;
	s9 =	rddreg [dreg:$0x7]  }
0xca: {  	[hbm:s13], [sflag:s9] =	dma.local [hbm:s6], $0x10  }
0xcb: {  	s0 =	sand.u32 $0x1FFFFFF0, s0;
	s1 =	sadd.s32 s11, s31;
	s6 =	rddreg [dreg:$0x9]  }
0xcc: {  	[hbm:s6], [sflag:s24] =	dma.local [hbm:s1], $0x10  }
0xcd: {  	s0 =	sadd.s32 s11, s0;
	s13 =	sand.u32 $0x1FFFFFF0, s23;
	s6 =	sadd.s32 $0x90, s2  }
0xce: {  	[hbm:s6], [sflag:s30] =	dma.local [hbm:s0], $0x10  }
0xcf: {  	s14 =	sand.u32 $0x1FFFFFF0, s10;
	s0 =	sadd.s32 s11, s13;
	s1 =	rddreg [dreg:$0xb]  }
0xd0: {  	[hbm:s1], [sflag:s8] =	dma.local [hbm:s0], $0x10  }
0xd1: {  	s15 =	sand.u32 $0x1FFFFFF0, s7;
	s0 =	sadd.s32 s11, s14;
	s1 =	rddreg [dreg:$0xc]  }
0xd2: {  	[hbm:s1], [sflag:s4] =	dma.local [hbm:s0], $0x10  }
0xd3: {  	s16 =	sand.u32 $0x1FFFFFF0, s3;
	s0 =	sadd.s32 s11, s15;
	s1 =	rddreg [dreg:$0xa]  }
0xd4: {  	[hbm:s1], [sflag:s29] =	dma.local [hbm:s0], $0x10  }
0xd5: {  	s17 =	sand.u32 $0x1FFFFFF0, s17;
	s0 =	sadd.s32 s11, s16  }
0xd6: {  	[hbm:s26], [sflag:s5] =	dma.local [hbm:s0], $0x10  }
0xd7: {  	s18 =	sadd.s32 s11, s20;
	s19 =	simm.s32 $0x1;
	s0 =	sadd.s32 s11, s17  }
0xd8: {  	[hbm:s25], [sflag:s21] =	dma.local [hbm:s0], $0x10  }
0xd9: {  	[hbm:s22], [sflag:s9] =	dma.local [hbm:s18], $0x10  }
0xda: {  	_ =	swait.ge [sflag:s19], $0x400  }
0xdb: {  	[sflag:s19] =	ssyncset.done $0x0  }
0xdc: {  	s20 =	simm.s32 $0x2;
	[sflag:s19] =	ssyncadd.s32 $0xFFFFFC00  }
0xdd: {  	_ =	swait.ge [sflag:s20], $0x400  }
0xde: {  	[sflag:s20] =	ssyncset.done $0x0  }
0xdf: {  	s21 =	simm.s32 $0x3;
	[sflag:s20] =	ssyncadd.s32 $0xFFFFFC00  }
0xe0: {  	_ =	swait.ge [sflag:s21], $0x400  }
0xe1: {  	[sflag:s21] =	ssyncset.done $0x0  }
0xe2: {  	s22 =	simm.s32 $0x4;
	[sflag:s21] =	ssyncadd.s32 $0xFFFFFC00  }
0xe3: {  	_ =	swait.ge [sflag:s22], $0x400  }
0xe4: {  	[sflag:s22] =	ssyncset.done $0x0  }
0xe5: {  	s23 =	simm.s32 $0x5;
	[sflag:s22] =	ssyncadd.s32 $0xFFFFFC00  }
0xe6: {  	_ =	swait.ge [sflag:s23], $0x400  }
0xe7: {  	[sflag:s23] =	ssyncset.done $0x0  }
0xe8: {  	s24 =	simm.s32 $0x6;
	[sflag:s23] =	ssyncadd.s32 $0xFFFFFC00  }
0xe9: {  	_ =	swait.ge [sflag:s24], $0x400  }
0xea: {  	[sflag:s24] =	ssyncset.done $0x0  }
0xeb: {  	s25 =	simm.s32 $0x7;
	[sflag:s24] =	ssyncadd.s32 $0xFFFFFC00  }
0xec: {  	_ =	swait.ge [sflag:s25], $0x400  }
0xed: {  	[sflag:s25] =	ssyncset.done $0x0  }
0xee: {  	s26 =	simm.s32 $0x8;
	[sflag:s25] =	ssyncadd.s32 $0xFFFFFC00  }
0xef: {  	_ =	swait.ge [sflag:s26], $0x400  }
0xf0: {  	s28 =	rddreg [dreg:$0x15]  }
0xf1: {  	s31 =	rddreg [dreg:$0x14];
	s2 =	sadd.s32 $0x1, s28  }
0xf2: {  	p0 =	sne.s32 s2, s31  }
.Ltmp1:
0xf3: {  	_ = 	snop;
	(pc) =	sbr.rel @p0 .LBB2_1-.Ltmp1, $3  }
0xf4: {  	_ =	sdelay $0x1  }
0xf5: {  	[sflag:s26] =	ssyncset.done $0x0  }
0xf6: {  	[sflag:s26] =	ssyncadd.s32 $0xFFFFFC00  }
0xf7: {  	_ =	sfence.sel $0x180000  }
0xf8: {  	[bflag:$0x0] =	sbarrier.arrive $0xFFFF  }
0xf9: {  	_ =	strace $0x90000047  }
0xfa: {  	s0 =	stileid.u32;
	[bflag:$0x2] =	sbarrier.arrive $0xFFFF  }
0xfb: {  	p0 =	sne.s32 s0, $0x0;
	s0 =	rddreg [dreg:$0x3]  }
0xfc: {  	s0 =	sadd.s32 @!p0 $0x100000, s0  }
0xfd: {  	[sflag:s0] =	ssyncadd.tile.s32 @!p0 $0x1;
	_ =	shalt  }
.Lfunc_end2:
_tile_overlayer_lowered:
.L_overlay_start_2:
0xfe: {  	(tag) =	ssettag $0x2  }
0xff: {  	s0 =	rddreg [dreg:$0x0];
	s2 =	stileid.u32  }
0x100: {  	s1 =	rddreg [dreg:$0x1];
	p0 =	sne.s32 s2, $0x0  }
0x101: {  	s3 =	rddreg [dreg:$0x2];
	[bflag:$0x3] =	sbarrier.arrive $0xFFFF;
	s2 =	simm.s32 @!p0 $0x1C09  }
0x102: {  	[timem:s3], [sflag:s2] =	dma.local @!p0 [hbm:s0], s1  }
0x103: {  	s0 =	simm.s32 @!p0 $0x9  }
0x104: {  	_ =	swait.ge @!p0 [sflag:s0], s1  }
0x105: {  	s1 =	ssub.s32 @!p0 $0x0, s1;
	[sflag:s0] =	ssyncset.done @!p0 $0x0  }
0x106: {  	[sflag:s0] =	ssyncadd.s32 @!p0 s1  }
0x107: {  	[bflag:$0x3] =	sbarrier.arrive $0xFFFF  }
0x108: {  	_ =	shalt  }

</sc_bundles>
